<compile_context>
chip_gen: v7x
topology: tpu7x:2x2x1
jax: 0.10.2.dev20260603
libtpu: 0.0.44.dev20260713+nightly
codegen_flags: <defaults>
</compile_context>

<pallas_src>
import functools

import jax
import jax.numpy as jnp
from jax import lax
from jax.experimental import pallas as pl
from jax.experimental.pallas import tpu as pltpu
from jax.experimental.pallas import tpu_sc as plsc

N = 10000
E = 320000
D = 128
EPS = 1e-5

NC = 2
NS = 16
NW = NC * NS
C = 128
NSPLIT = 4

NCHUNK = E // C
CHUNKS_PER_W = NCHUNK // NW
EXTRA = NCHUNK - CHUNKS_PER_W * NW
EPW = CHUNKS_PER_W * C
NP = 10016
INIT_ROWS = NP // 4
OUT_ROWS = 632
OUT_TAIL = N - 15 * OUT_ROWS


def _sc_segment_sum(src_p, dst_p, tables, zeros):
    mesh = plsc.VectorSubcoreMesh(core_axis_name="c", subcore_axis_name="s")
    DS = D // NSPLIT
    NSET = 3
    NTRIP = CHUNKS_PER_W // NSET

    @functools.partial(
        pl.kernel,
        out_type=jax.ShapeDtypeStruct((NC, N, D), jnp.float32),
        mesh=mesh,
        compiler_params=pltpu.CompilerParams(use_tc_tiling_on_sc=False),
        scratch_types=[
            [pltpu.VMEM((C,), jnp.int32)] * NSET,
            [pltpu.VMEM((C,), jnp.int32)] * NSET,
            [[pltpu.VMEM((C, DS), jnp.float32)] * NSPLIT] * NSET,
            [pltpu.VMEM_SHARED((NP, DS), jnp.float32)] * NSPLIT,
            [pltpu.SemaphoreType.DMA] * NSET,
            [pltpu.SemaphoreType.DMA] * NSET,
        ],
    )
    def seg_sum(t0_hbm, t1_hbm, t2_hbm, t3_hbm, src_hbm, dst_hbm, zeros_hbm,
                out_hbm, src_v, dst_v, g, acc, sem_g, sem_s):
        tabs = (t0_hbm, t1_hbm, t2_hbm, t3_hbm)
        cid = lax.axis_index("c")
        sid = lax.axis_index("s")
        wid = sid * NC + cid
        @pl.when(sid < 4)
        def _():
            for i in range(NSPLIT):
                pltpu.sync_copy(zeros_hbm,
                                acc[i].at[pl.ds(sid * INIT_ROWS, INIT_ROWS)])

        plsc.subcore_barrier()

        base = wid * EPW

        def gather_start(off, k):
            pltpu.sync_copy(src_hbm.at[pl.ds(off, C)], src_v[k])
            for i in range(NSPLIT):
                pltpu.async_copy(tabs[i].at[src_v[k]], g[k][i], sem_g[k])

        def gather_wait(k):
            for i in range(NSPLIT):
                pltpu.make_async_copy(tabs[i].at[src_v[k]], g[k][i],
                                      sem_g[k]).wait()

        def scatter_start(off, k):
            pltpu.sync_copy(dst_hbm.at[pl.ds(off, C)], dst_v[k])
            for i in range(NSPLIT):
                pltpu.make_async_copy(
                    g[k][i], acc[i].at[dst_v[k]],
                    sem_s[k]).start(add=True)

        def scatter_wait(k):
            for i in range(NSPLIT):
                pltpu.make_async_copy(
                    g[k][i], acc[i].at[dst_v[k]],
                    sem_s[k]).wait()

        for k in range(NSET):
            gather_start(base + k * C, k)

        @pl.loop(0, NTRIP)
        def _(t):
            j0 = NSET * t
            for k in range(NSET):
                gather_wait(k)
                scatter_start(base + (j0 + k) * C, k)

                @pl.when(t < NTRIP - 1)
                def _():
                    scatter_wait(k)
                    gather_start(base + (j0 + k + NSET) * C, k)

        for k in range(NSET):
            scatter_wait(k)

        @pl.when(wid < EXTRA)
        def _():
            off = (CHUNKS_PER_W * NW + wid) * C
            gather_start(off, 0)
            gather_wait(0)
            scatter_start(off, 0)
            scatter_wait(0)

        plsc.subcore_barrier()

        @pl.when(sid < NS - 1)
        def _():
            for i in range(NSPLIT):
                pltpu.sync_copy(
                    acc[i].at[pl.ds(sid * OUT_ROWS, OUT_ROWS)],
                    out_hbm.at[cid, pl.ds(sid * OUT_ROWS, OUT_ROWS),
                               pl.ds(i * DS, DS)])

        @pl.when(sid == NS - 1)
        def _():
            for i in range(NSPLIT):
                pltpu.sync_copy(
                    acc[i].at[pl.ds((NS - 1) * OUT_ROWS, OUT_TAIL)],
                    out_hbm.at[cid, pl.ds((NS - 1) * OUT_ROWS, OUT_TAIL),
                               pl.ds(i * DS, DS)])

    return seg_sum(*tables, src_p, dst_p, zeros)


R = 1000
NBLK = N // R


def _tc_fused_body(p0_ref, p1_ref, f_ref, w_ref, b_ref, wr_ref, br_ref,
                   g_ref, bt_ref, o_ref, h_all, acc_ref):
    ph = pl.program_id(0)
    i = pl.program_id(1)

    @pl.when(ph == 0)
    def _():
        agg = p0_ref[...] + p1_ref[...]
        h = jnp.dot(agg, w_ref[...], preferred_element_type=jnp.float32)
        h = jnp.maximum(h + b_ref[...], 0.0)
        r = jnp.dot(f_ref[...], wr_ref[...],
                    preferred_element_type=jnp.float32)
        r = jnp.maximum(r + br_ref[...], 0.0)
        h = h + r
        h_all[pl.ds(i * R, R), :] = h

        @pl.when(i == 0)
        def _():
            acc_ref[...] = jnp.zeros_like(acc_ref)

        acc_ref[0:1, :] += jnp.sum(h, axis=0, keepdims=True)
        acc_ref[1:2, :] += jnp.sum(h * h, axis=0, keepdims=True)

    @pl.when(ph == 1)
    def _():
        mean = acc_ref[0:1, :] * (1.0 / N)
        var = acc_ref[1:2, :] * (1.0 / N) - mean * mean
        inv = lax.rsqrt(var + EPS)
        h = h_all[pl.ds(i * R, R), :]
        o_ref[...] = (h - mean) * (inv * g_ref[...]) + bt_ref[...]


def kernel(feats, edge_index, W, b, W_res, b_res, gamma, beta):
    src_p = edge_index[0].astype(jnp.int32)
    dst_p = edge_index[1].astype(jnp.int32)
    zeros = jnp.zeros((INIT_ROWS, D // NSPLIT), jnp.float32)

    tables = [feats[:, k * (D // NSPLIT):(k + 1) * (D // NSPLIT)]
              for k in range(NSPLIT)]
    parts = _sc_segment_sum(src_p, dst_p, tables, zeros)
    p0, p1 = parts[0], parts[1]

    blk = lambda ph, i: (i * (1 - ph), 0)
    out_blk = lambda ph, i: (i, 0)
    full = lambda ph, i: (0, 0)
    out = pl.pallas_call(
        _tc_fused_body,
        grid=(2, NBLK),
        in_specs=[
            pl.BlockSpec((R, D), blk),
            pl.BlockSpec((R, D), blk),
            pl.BlockSpec((R, D), blk),
            pl.BlockSpec((D, D), full),
            pl.BlockSpec((1, D), full),
            pl.BlockSpec((D, D), full),
            pl.BlockSpec((1, D), full),
            pl.BlockSpec((1, D), full),
            pl.BlockSpec((1, D), full),
        ],
        out_specs=pl.BlockSpec((R, D), out_blk),
        out_shape=jax.ShapeDtypeStruct((N, D), jnp.float32),
        scratch_shapes=[
            pltpu.VMEM((N, D), jnp.float32),
            pltpu.VMEM((2, D), jnp.float32),
        ],
    )(p0, p1, feats, W, b.reshape(1, D), W_res, b_res.reshape(1, D),
      gamma.reshape(1, D), beta.reshape(1, D))
    return out

# --- scband reference (transcript-rebuilt; emitter-appended) ---
"""Pipeline reference for scband-gcnlayer-1219770712797 (READ-ONLY COPY).

The authoritative reference and input builder live on the scoring server;
editing this copy changes nothing except your own understanding.
"""

import jax, jax.numpy as jnp
import numpy as np

N_NODES = 10000
N_EDGES = 320000
D_IN = 128
D_OUT = 128
BN_EPS = 1e-5


def setup_inputs(seed: int = 0) -> dict:
    key = jax.random.key(seed)
    k_feat, k_edge, k_w, k_b, k_wr, k_br, k_g, k_bt = jax.random.split(key, 8)
    feats = jax.random.normal(k_feat, (N_NODES, D_IN), dtype=jnp.float32)
    edge_index = jax.random.randint(k_edge, (2, N_EDGES), 0, N_NODES, dtype=jnp.int64)
    # GraphConv weight/bias (DGL GraphConv, norm='none')
    W = jax.random.normal(k_w, (D_IN, D_OUT), dtype=jnp.float32) * (1.0 / np.sqrt(D_IN))
    b = jnp.zeros((D_OUT,), dtype=jnp.float32)
    # residual linear
    W_res = jax.random.normal(k_wr, (D_IN, D_OUT), dtype=jnp.float32) * (1.0 / np.sqrt(D_IN))
    b_res = jax.random.normal(k_br, (D_OUT,), dtype=jnp.float32) * 0.01
    # batchnorm affine params
    gamma = jnp.ones((D_OUT,), dtype=jnp.float32)
    beta = jnp.zeros((D_OUT,), dtype=jnp.float32)
    return {
        "feats": feats,
        "edge_index": edge_index,
        "W": W,
        "b": b,
        "W_res": W_res,
        "b_res": b_res,
        "gamma": gamma,
        "beta": beta,
    }


def reference(feats, edge_index, W, b, W_res, b_res, gamma, beta):
    src = edge_index[0]
    dst = edge_index[1]
    # GraphConv with norm='none': sum-aggregate neighbor features, then linear
    msgs = jnp.take(feats, src, axis=0)  # gather [E, D_IN]
    agg = jax.ops.segment_sum(msgs, dst, num_segments=feats.shape[0])  # scatter-add [N, D_IN]
    h = jax.nn.relu(agg @ W + b)  # GraphConv applies activation internally
    # residual connection: activation(Linear(feats))
    res = jax.nn.relu(feats @ W_res + b_res)
    h = h + res
    # dropout p=0.0 -> identity
    # BatchNorm1d (training mode: batch statistics, biased variance)
    mean = jnp.mean(h, axis=0)
    var = jnp.var(h, axis=0)
    h = (h - mean) / jnp.sqrt(var + BN_EPS) * gamma + beta
    return h

if __name__ == "__main__":
    import jax
    _d = setup_inputs()
    print(jax.jit(kernel)(*tuple(_d.values())))

</pallas_src>

<mosaic_0001>
#map = affine_map<(d0, d1) -> (0, 0)>
#map1 = affine_map<(d0, d1) -> (0)>
#map2 = affine_map<(d0, d1) -> (0, 0, 0)>
module attributes {stable_mosaic.version = 14 : i64} {
  func.func @seg_sum(%arg0: i32, %arg1: i32, %arg2: memref<10000x32xf32, #tpu.memory_space<hbm>>, %arg3: memref<10000x32xf32, #tpu.memory_space<hbm>>, %arg4: memref<10000x32xf32, #tpu.memory_space<hbm>>, %arg5: memref<10000x32xf32, #tpu.memory_space<hbm>>, %arg6: memref<320000xi32, #tpu.memory_space<hbm>>, %arg7: memref<320000xi32, #tpu.memory_space<hbm>>, %arg8: memref<2504x32xf32, #tpu.memory_space<hbm>>, %arg9: memref<2x10000x128xf32, #tpu.memory_space<hbm>>, %arg10: memref<128xi32, #tpu.memory_space<vmem>>, %arg11: memref<128xi32, #tpu.memory_space<vmem>>, %arg12: memref<128xi32, #tpu.memory_space<vmem>>, %arg13: memref<128xi32, #tpu.memory_space<vmem>>, %arg14: memref<128xi32, #tpu.memory_space<vmem>>, %arg15: memref<128xi32, #tpu.memory_space<vmem>>, %arg16: memref<128x32xf32, #tpu.memory_space<vmem>>, %arg17: memref<128x32xf32, #tpu.memory_space<vmem>>, %arg18: memref<128x32xf32, #tpu.memory_space<vmem>>, %arg19: memref<128x32xf32, #tpu.memory_space<vmem>>, %arg20: memref<128x32xf32, #tpu.memory_space<vmem>>, %arg21: memref<128x32xf32, #tpu.memory_space<vmem>>, %arg22: memref<128x32xf32, #tpu.memory_space<vmem>>, %arg23: memref<128x32xf32, #tpu.memory_space<vmem>>, %arg24: memref<128x32xf32, #tpu.memory_space<vmem>>, %arg25: memref<128x32xf32, #tpu.memory_space<vmem>>, %arg26: memref<128x32xf32, #tpu.memory_space<vmem>>, %arg27: memref<128x32xf32, #tpu.memory_space<vmem>>, %arg28: memref<10016x32xf32, #tpu.memory_space<vmem_shared>>, %arg29: memref<10016x32xf32, #tpu.memory_space<vmem_shared>>, %arg30: memref<10016x32xf32, #tpu.memory_space<vmem_shared>>, %arg31: memref<10016x32xf32, #tpu.memory_space<vmem_shared>>, %arg32: memref<!tpu.dma_semaphore, #tpu.memory_space<semaphore_mem>>, %arg33: memref<!tpu.dma_semaphore, #tpu.memory_space<semaphore_mem>>, %arg34: memref<!tpu.dma_semaphore, #tpu.memory_space<semaphore_mem>>, %arg35: memref<!tpu.dma_semaphore, #tpu.memory_space<semaphore_mem>>, %arg36: memref<!tpu.dma_semaphore, #tpu.memory_space<semaphore_mem>>, %arg37: memref<!tpu.dma_semaphore, #tpu.memory_space<semaphore_mem>>) attributes {dimension_semantics = [#tpu.dimension_semantics<core_parallel>, #tpu.dimension_semantics<subcore_parallel>], iteration_bounds = array<i64: 2, 16>, scalar_prefetch = 0 : i64, scratch_operands = 28 : i64, tpu.core_type = #tpu.core_type<sc_vector_subcore>, window_params = [{transform_indices = #map}, {transform_indices = #map}, {transform_indices = #map}, {transform_indices = #map}, {transform_indices = #map1}, {transform_indices = #map1}, {transform_indices = #map}, {transform_indices = #map2}]} {
    %mul3A = arith.constant 2 : i32
    %mul3A_0 = arith.muli %arg1, %mul3A : i32
    %add3A = arith.addi %mul3A_0, %arg0 : i32
    %lt3A = arith.constant 4 : i32
    %lt3A_1 = arith.cmpi slt, %arg1, %lt3A : i32
    %convert_element_type3A = arith.extui %lt3A_1 : i1 to i32
    %cond3A = arith.constant 0 : i32
    %cond3A_2 = arith.cmpi ne, %convert_element_type3A, %cond3A : i32
    scf.if %cond3A_2 {
      %mul3A_100 = arith.constant 2504 : i32
      %mul3A_101 = arith.muli %arg1, %mul3A_100 : i32
      "tpu.region"() ({
        %run_scoped3A = tpu.sem_alloc : memref<!tpu.dma_semaphore, #tpu.memory_space<semaphore_mem>>
        %dma_start3A_108 = arith.constant 0 : i32
        %dma_start3A_109 = tpu.memref_slice %arg28[%mul3A_101, %dma_start3A_108] : memref<10016x32xf32, #tpu.memory_space<vmem_shared>> -> memref<2504x32xf32, #tpu.memory_space<vmem_shared>>
        tpu.enqueue_dma source(%arg8 : memref<2504x32xf32, #tpu.memory_space<hbm>>) target(%dma_start3A_109 : memref<2504x32xf32, #tpu.memory_space<vmem_shared>>) target_semaphore(%run_scoped3A : memref<!tpu.dma_semaphore, #tpu.memory_space<semaphore_mem>>)
        %dma_wait3A_110 = arith.constant 0 : i32
        %dma_wait3A_111 = tpu.memref_slice %arg28[%mul3A_101, %dma_wait3A_110] : memref<10016x32xf32, #tpu.memory_space<vmem_shared>> -> memref<2504x32xf32, #tpu.memory_space<vmem_shared>>
        tpu.wait_dma2 semaphore(%run_scoped3A : memref<!tpu.dma_semaphore, #tpu.memory_space<semaphore_mem>>) src(%arg8 : memref<2504x32xf32, #tpu.memory_space<hbm>>) dst(%dma_wait3A_111 : memref<2504x32xf32, #tpu.memory_space<vmem_shared>>)
        tpu.yield
      }) : () -> ()
      %mul3A_102 = arith.constant 2504 : i32
      %mul3A_103 = arith.muli %arg1, %mul3A_102 : i32
      "tpu.region"() ({
        %run_scoped3A = tpu.sem_alloc : memref<!tpu.dma_semaphore, #tpu.memory_space<semaphore_mem>>
        %dma_start3A_108 = arith.constant 0 : i32
        %dma_start3A_109 = tpu.memref_slice %arg29[%mul3A_103, %dma_start3A_108] : memref<10016x32xf32, #tpu.memory_space<vmem_shared>> -> memref<2504x32xf32, #tpu.memory_space<vmem_shared>>
        tpu.enqueue_dma source(%arg8 : memref<2504x32xf32, #tpu.memory_space<hbm>>) target(%dma_start3A_109 : memref<2504x32xf32, #tpu.memory_space<vmem_shared>>) target_semaphore(%run_scoped3A : memref<!tpu.dma_semaphore, #tpu.memory_space<semaphore_mem>>)
        %dma_wait3A_110 = arith.constant 0 : i32
        %dma_wait3A_111 = tpu.memref_slice %arg29[%mul3A_103, %dma_wait3A_110] : memref<10016x32xf32, #tpu.memory_space<vmem_shared>> -> memref<2504x32xf32, #tpu.memory_space<vmem_shared>>
        tpu.wait_dma2 semaphore(%run_scoped3A : memref<!tpu.dma_semaphore, #tpu.memory_space<semaphore_mem>>) src(%arg8 : memref<2504x32xf32, #tpu.memory_space<hbm>>) dst(%dma_wait3A_111 : memref<2504x32xf32, #tpu.memory_space<vmem_shared>>)
        tpu.yield
      }) : () -> ()
      %mul3A_104 = arith.constant 2504 : i32
      %mul3A_105 = arith.muli %arg1, %mul3A_104 : i32
      "tpu.region"() ({
        %run_scoped3A = tpu.sem_alloc : memref<!tpu.dma_semaphore, #tpu.memory_space<semaphore_mem>>
        %dma_start3A_108 = arith.constant 0 : i32
        %dma_start3A_109 = tpu.memref_slice %arg30[%mul3A_105, %dma_start3A_108] : memref<10016x32xf32, #tpu.memory_space<vmem_shared>> -> memref<2504x32xf32, #tpu.memory_space<vmem_shared>>
        tpu.enqueue_dma source(%arg8 : memref<2504x32xf32, #tpu.memory_space<hbm>>) target(%dma_start3A_109 : memref<2504x32xf32, #tpu.memory_space<vmem_shared>>) target_semaphore(%run_scoped3A : memref<!tpu.dma_semaphore, #tpu.memory_space<semaphore_mem>>)
        %dma_wait3A_110 = arith.constant 0 : i32
        %dma_wait3A_111 = tpu.memref_slice %arg30[%mul3A_105, %dma_wait3A_110] : memref<10016x32xf32, #tpu.memory_space<vmem_shared>> -> memref<2504x32xf32, #tpu.memory_space<vmem_shared>>
        tpu.wait_dma2 semaphore(%run_scoped3A : memref<!tpu.dma_semaphore, #tpu.memory_space<semaphore_mem>>) src(%arg8 : memref<2504x32xf32, #tpu.memory_space<hbm>>) dst(%dma_wait3A_111 : memref<2504x32xf32, #tpu.memory_space<vmem_shared>>)
        tpu.yield
      }) : () -> ()
      %mul3A_106 = arith.constant 2504 : i32
      %mul3A_107 = arith.muli %arg1, %mul3A_106 : i32
      "tpu.region"() ({
        %run_scoped3A = tpu.sem_alloc : memref<!tpu.dma_semaphore, #tpu.memory_space<semaphore_mem>>
        %dma_start3A_108 = arith.constant 0 : i32
        %dma_start3A_109 = tpu.memref_slice %arg31[%mul3A_107, %dma_start3A_108] : memref<10016x32xf32, #tpu.memory_space<vmem_shared>> -> memref<2504x32xf32, #tpu.memory_space<vmem_shared>>
        tpu.enqueue_dma source(%arg8 : memref<2504x32xf32, #tpu.memory_space<hbm>>) target(%dma_start3A_109 : memref<2504x32xf32, #tpu.memory_space<vmem_shared>>) target_semaphore(%run_scoped3A : memref<!tpu.dma_semaphore, #tpu.memory_space<semaphore_mem>>)
        %dma_wait3A_110 = arith.constant 0 : i32
        %dma_wait3A_111 = tpu.memref_slice %arg31[%mul3A_107, %dma_wait3A_110] : memref<10016x32xf32, #tpu.memory_space<vmem_shared>> -> memref<2504x32xf32, #tpu.memory_space<vmem_shared>>
        tpu.wait_dma2 semaphore(%run_scoped3A : memref<!tpu.dma_semaphore, #tpu.memory_space<semaphore_mem>>) src(%arg8 : memref<2504x32xf32, #tpu.memory_space<hbm>>) dst(%dma_wait3A_111 : memref<2504x32xf32, #tpu.memory_space<vmem_shared>>)
        tpu.yield
      }) : () -> ()
    } else {
    }
    %barrier3A = arith.constant 0 : index
    tpu.barrier barrier_id(%barrier3A)
    %mul3A_3 = arith.constant 9984 : i32
    %mul3A_4 = arith.muli %add3A, %mul3A_3 : i32
    %add3A_5 = arith.constant 0 : i32
    %add3A_6 = arith.addi %mul3A_4, %add3A_5 : i32
    "tpu.region"() ({
      %run_scoped3A = tpu.sem_alloc : memref<!tpu.dma_semaphore, #tpu.memory_space<semaphore_mem>>
      %dma_start3A_100 = tpu.memref_slice %arg6[%add3A_6] : memref<320000xi32, #tpu.memory_space<hbm>> -> memref<128xi32, #tpu.memory_space<hbm>>
      %dma_start3A_101 = tpu.memref_slice %arg6[%add3A_6] : memref<320000xi32, #tpu.memory_space<hbm>> -> memref<128xi32, #tpu.memory_space<hbm>>
      tpu.enqueue_dma source(%dma_start3A_101 : memref<128xi32, #tpu.memory_space<hbm>>) target(%arg10 : memref<128xi32, #tpu.memory_space<vmem>>) target_semaphore(%run_scoped3A : memref<!tpu.dma_semaphore, #tpu.memory_space<semaphore_mem>>)
      %dma_wait3A_102 = tpu.memref_slice %arg6[%add3A_6] : memref<320000xi32, #tpu.memory_space<hbm>> -> memref<128xi32, #tpu.memory_space<hbm>>
      %dma_wait3A_103 = tpu.memref_slice %arg6[%add3A_6] : memref<320000xi32, #tpu.memory_space<hbm>> -> memref<128xi32, #tpu.memory_space<hbm>>
      tpu.wait_dma2 semaphore(%run_scoped3A : memref<!tpu.dma_semaphore, #tpu.memory_space<semaphore_mem>>) src(%dma_wait3A_103 : memref<128xi32, #tpu.memory_space<hbm>>) dst(%arg10 : memref<128xi32, #tpu.memory_space<vmem>>)
      tpu.yield
    }) : () -> ()
    %dma_start3A = arith.constant 0 : i32
    %dma_start3A_7 = arith.constant 0 : i32
    %dma_start3A_8 = tpu.memref_slice %arg2[%dma_start3A, %dma_start3A_7] : memref<10000x32xf32, #tpu.memory_space<hbm>> -> memref<10000x32xf32, #tpu.memory_space<hbm>>
    tpu.enqueue_indirect_dma source(%dma_start3A_8 : memref<10000x32xf32, #tpu.memory_space<hbm>>) target(%arg16 : memref<128x32xf32, #tpu.memory_space<vmem>>) offsets(%arg10 : memref<128xi32, #tpu.memory_space<vmem>>) semaphore(%arg32 : memref<!tpu.dma_semaphore, #tpu.memory_space<semaphore_mem>>)
    %dma_start3A_9 = arith.constant 0 : i32
    %dma_start3A_10 = arith.constant 0 : i32
    %dma_start3A_11 = tpu.memref_slice %arg3[%dma_start3A_9, %dma_start3A_10] : memref<10000x32xf32, #tpu.memory_space<hbm>> -> memref<10000x32xf32, #tpu.memory_space<hbm>>
    tpu.enqueue_indirect_dma source(%dma_start3A_11 : memref<10000x32xf32, #tpu.memory_space<hbm>>) target(%arg17 : memref<128x32xf32, #tpu.memory_space<vmem>>) offsets(%arg10 : memref<128xi32, #tpu.memory_space<vmem>>) semaphore(%arg32 : memref<!tpu.dma_semaphore, #tpu.memory_space<semaphore_mem>>)
    %dma_start3A_12 = arith.constant 0 : i32
    %dma_start3A_13 = arith.constant 0 : i32
    %dma_start3A_14 = tpu.memref_slice %arg4[%dma_start3A_12, %dma_start3A_13] : memref<10000x32xf32, #tpu.memory_space<hbm>> -> memref<10000x32xf32, #tpu.memory_space<hbm>>
    tpu.enqueue_indirect_dma source(%dma_start3A_14 : memref<10000x32xf32, #tpu.memory_space<hbm>>) target(%arg18 : memref<128x32xf32, #tpu.memory_space<vmem>>) offsets(%arg10 : memref<128xi32, #tpu.memory_space<vmem>>) semaphore(%arg32 : memref<!tpu.dma_semaphore, #tpu.memory_space<semaphore_mem>>)
    %dma_start3A_15 = arith.constant 0 : i32
    %dma_start3A_16 = arith.constant 0 : i32
    %dma_start3A_17 = tpu.memref_slice %arg5[%dma_start3A_15, %dma_start3A_16] : memref<10000x32xf32, #tpu.memory_space<hbm>> -> memref<10000x32xf32, #tpu.memory_space<hbm>>
    tpu.enqueue_indirect_dma source(%dma_start3A_17 : memref<10000x32xf32, #tpu.memory_space<hbm>>) target(%arg19 : memref<128x32xf32, #tpu.memory_space<vmem>>) offsets(%arg10 : memref<128xi32, #tpu.memory_space<vmem>>) semaphore(%arg32 : memref<!tpu.dma_semaphore, #tpu.memory_space<semaphore_mem>>)
    %add3A_18 = arith.constant 128 : i32
    %add3A_19 = arith.addi %mul3A_4, %add3A_18 : i32
    "tpu.region"() ({
      %run_scoped3A = tpu.sem_alloc : memref<!tpu.dma_semaphore, #tpu.memory_space<semaphore_mem>>
      %dma_start3A_100 = tpu.memref_slice %arg6[%add3A_19] : memref<320000xi32, #tpu.memory_space<hbm>> -> memref<128xi32, #tpu.memory_space<hbm>>
      %dma_start3A_101 = tpu.memref_slice %arg6[%add3A_19] : memref<320000xi32, #tpu.memory_space<hbm>> -> memref<128xi32, #tpu.memory_space<hbm>>
      tpu.enqueue_dma source(%dma_start3A_101 : memref<128xi32, #tpu.memory_space<hbm>>) target(%arg11 : memref<128xi32, #tpu.memory_space<vmem>>) target_semaphore(%run_scoped3A : memref<!tpu.dma_semaphore, #tpu.memory_space<semaphore_mem>>)
      %dma_wait3A_102 = tpu.memref_slice %arg6[%add3A_19] : memref<320000xi32, #tpu.memory_space<hbm>> -> memref<128xi32, #tpu.memory_space<hbm>>
      %dma_wait3A_103 = tpu.memref_slice %arg6[%add3A_19] : memref<320000xi32, #tpu.memory_space<hbm>> -> memref<128xi32, #tpu.memory_space<hbm>>
      tpu.wait_dma2 semaphore(%run_scoped3A : memref<!tpu.dma_semaphore, #tpu.memory_space<semaphore_mem>>) src(%dma_wait3A_103 : memref<128xi32, #tpu.memory_space<hbm>>) dst(%arg11 : memref<128xi32, #tpu.memory_space<vmem>>)
      tpu.yield
    }) : () -> ()
    %dma_start3A_20 = arith.constant 0 : i32
    %dma_start3A_21 = arith.constant 0 : i32
    %dma_start3A_22 = tpu.memref_slice %arg2[%dma_start3A_20, %dma_start3A_21] : memref<10000x32xf32, #tpu.memory_space<hbm>> -> memref<10000x32xf32, #tpu.memory_space<hbm>>
    tpu.enqueue_indirect_dma source(%dma_start3A_22 : memref<10000x32xf32, #tpu.memory_space<hbm>>) target(%arg20 : memref<128x32xf32, #tpu.memory_space<vmem>>) offsets(%arg11 : memref<128xi32, #tpu.memory_space<vmem>>) semaphore(%arg33 : memref<!tpu.dma_semaphore, #tpu.memory_space<semaphore_mem>>)
    %dma_start3A_23 = arith.constant 0 : i32
    %dma_start3A_24 = arith.constant 0 : i32
    %dma_start3A_25 = tpu.memref_slice %arg3[%dma_start3A_23, %dma_start3A_24] : memref<10000x32xf32, #tpu.memory_space<hbm>> -> memref<10000x32xf32, #tpu.memory_space<hbm>>
    tpu.enqueue_indirect_dma source(%dma_start3A_25 : memref<10000x32xf32, #tpu.memory_space<hbm>>) target(%arg21 : memref<128x32xf32, #tpu.memory_space<vmem>>) offsets(%arg11 : memref<128xi32, #tpu.memory_space<vmem>>) semaphore(%arg33 : memref<!tpu.dma_semaphore, #tpu.memory_space<semaphore_mem>>)
    %dma_start3A_26 = arith.constant 0 : i32
    %dma_start3A_27 = arith.constant 0 : i32
    %dma_start3A_28 = tpu.memref_slice %arg4[%dma_start3A_26, %dma_start3A_27] : memref<10000x32xf32, #tpu.memory_space<hbm>> -> memref<10000x32xf32, #tpu.memory_space<hbm>>
    tpu.enqueue_indirect_dma source(%dma_start3A_28 : memref<10000x32xf32, #tpu.memory_space<hbm>>) target(%arg22 : memref<128x32xf32, #tpu.memory_space<vmem>>) offsets(%arg11 : memref<128xi32, #tpu.memory_space<vmem>>) semaphore(%arg33 : memref<!tpu.dma_semaphore, #tpu.memory_space<semaphore_mem>>)
    %dma_start3A_29 = arith.constant 0 : i32
    %dma_start3A_30 = arith.constant 0 : i32
    %dma_start3A_31 = tpu.memref_slice %arg5[%dma_start3A_29, %dma_start3A_30] : memref<10000x32xf32, #tpu.memory_space<hbm>> -> memref<10000x32xf32, #tpu.memory_space<hbm>>
    tpu.enqueue_indirect_dma source(%dma_start3A_31 : memref<10000x32xf32, #tpu.memory_space<hbm>>) target(%arg23 : memref<128x32xf32, #tpu.memory_space<vmem>>) offsets(%arg11 : memref<128xi32, #tpu.memory_space<vmem>>) semaphore(%arg33 : memref<!tpu.dma_semaphore, #tpu.memory_space<semaphore_mem>>)
    %add3A_32 = arith.constant 256 : i32
    %add3A_33 = arith.addi %mul3A_4, %add3A_32 : i32
    "tpu.region"() ({
      %run_scoped3A = tpu.sem_alloc : memref<!tpu.dma_semaphore, #tpu.memory_space<semaphore_mem>>
      %dma_start3A_100 = tpu.memref_slice %arg6[%add3A_33] : memref<320000xi32, #tpu.memory_space<hbm>> -> memref<128xi32, #tpu.memory_space<hbm>>
      %dma_start3A_101 = tpu.memref_slice %arg6[%add3A_33] : memref<320000xi32, #tpu.memory_space<hbm>> -> memref<128xi32, #tpu.memory_space<hbm>>
      tpu.enqueue_dma source(%dma_start3A_101 : memref<128xi32, #tpu.memory_space<hbm>>) target(%arg12 : memref<128xi32, #tpu.memory_space<vmem>>) target_semaphore(%run_scoped3A : memref<!tpu.dma_semaphore, #tpu.memory_space<semaphore_mem>>)
      %dma_wait3A_102 = tpu.memref_slice %arg6[%add3A_33] : memref<320000xi32, #tpu.memory_space<hbm>> -> memref<128xi32, #tpu.memory_space<hbm>>
      %dma_wait3A_103 = tpu.memref_slice %arg6[%add3A_33] : memref<320000xi32, #tpu.memory_space<hbm>> -> memref<128xi32, #tpu.memory_space<hbm>>
      tpu.wait_dma2 semaphore(%run_scoped3A : memref<!tpu.dma_semaphore, #tpu.memory_space<semaphore_mem>>) src(%dma_wait3A_103 : memref<128xi32, #tpu.memory_space<hbm>>) dst(%arg12 : memref<128xi32, #tpu.memory_space<vmem>>)
      tpu.yield
    }) : () -> ()
    %dma_start3A_34 = arith.constant 0 : i32
    %dma_start3A_35 = arith.constant 0 : i32
    %dma_start3A_36 = tpu.memref_slice %arg2[%dma_start3A_34, %dma_start3A_35] : memref<10000x32xf32, #tpu.memory_space<hbm>> -> memref<10000x32xf32, #tpu.memory_space<hbm>>
    tpu.enqueue_indirect_dma source(%dma_start3A_36 : memref<10000x32xf32, #tpu.memory_space<hbm>>) target(%arg24 : memref<128x32xf32, #tpu.memory_space<vmem>>) offsets(%arg12 : memref<128xi32, #tpu.memory_space<vmem>>) semaphore(%arg34 : memref<!tpu.dma_semaphore, #tpu.memory_space<semaphore_mem>>)
    %dma_start3A_37 = arith.constant 0 : i32
    %dma_start3A_38 = arith.constant 0 : i32
    %dma_start3A_39 = tpu.memref_slice %arg3[%dma_start3A_37, %dma_start3A_38] : memref<10000x32xf32, #tpu.memory_space<hbm>> -> memref<10000x32xf32, #tpu.memory_space<hbm>>
    tpu.enqueue_indirect_dma source(%dma_start3A_39 : memref<10000x32xf32, #tpu.memory_space<hbm>>) target(%arg25 : memref<128x32xf32, #tpu.memory_space<vmem>>) offsets(%arg12 : memref<128xi32, #tpu.memory_space<vmem>>) semaphore(%arg34 : memref<!tpu.dma_semaphore, #tpu.memory_space<semaphore_mem>>)
    %dma_start3A_40 = arith.constant 0 : i32
    %dma_start3A_41 = arith.constant 0 : i32
    %dma_start3A_42 = tpu.memref_slice %arg4[%dma_start3A_40, %dma_start3A_41] : memref<10000x32xf32, #tpu.memory_space<hbm>> -> memref<10000x32xf32, #tpu.memory_space<hbm>>
    tpu.enqueue_indirect_dma source(%dma_start3A_42 : memref<10000x32xf32, #tpu.memory_space<hbm>>) target(%arg26 : memref<128x32xf32, #tpu.memory_space<vmem>>) offsets(%arg12 : memref<128xi32, #tpu.memory_space<vmem>>) semaphore(%arg34 : memref<!tpu.dma_semaphore, #tpu.memory_space<semaphore_mem>>)
    %dma_start3A_43 = arith.constant 0 : i32
    %dma_start3A_44 = arith.constant 0 : i32
    %dma_start3A_45 = tpu.memref_slice %arg5[%dma_start3A_43, %dma_start3A_44] : memref<10000x32xf32, #tpu.memory_space<hbm>> -> memref<10000x32xf32, #tpu.memory_space<hbm>>
    tpu.enqueue_indirect_dma source(%dma_start3A_45 : memref<10000x32xf32, #tpu.memory_space<hbm>>) target(%arg27 : memref<128x32xf32, #tpu.memory_space<vmem>>) offsets(%arg12 : memref<128xi32, #tpu.memory_space<vmem>>) semaphore(%arg34 : memref<!tpu.dma_semaphore, #tpu.memory_space<semaphore_mem>>)
    %scan3A = arith.constant 0 : i32
    %scan3A_46 = arith.constant 26 : i32
    %scan3A_47 = arith.addi %scan3A, %scan3A_46 : i32
    %scan3A_48 = arith.constant 1 : i32
    scf.for %scan3A_100 = %scan3A to %scan3A_47 step %scan3A_48  : i32 {
      %mul3A_101 = arith.constant 1 : i32
      %mul3A_102 = arith.muli %scan3A_100, %mul3A_101 : i32
      %add3A_103 = arith.constant 0 : i32
      %add3A_104 = arith.addi %add3A_103, %mul3A_102 : i32
      %mul3A_105 = arith.constant 3 : i32
      %mul3A_106 = arith.muli %mul3A_105, %add3A_104 : i32
      %dma_wait3A_107 = arith.constant 0 : i32
      %dma_wait3A_108 = arith.constant 0 : i32
      %dma_wait3A_109 = tpu.memref_slice %arg2[%dma_wait3A_107, %dma_wait3A_108] : memref<10000x32xf32, #tpu.memory_space<hbm>> -> memref<10000x32xf32, #tpu.memory_space<hbm>>
      tpu.wait_indirect_dma semaphore(%arg32 : memref<!tpu.dma_semaphore, #tpu.memory_space<semaphore_mem>>) src(%dma_wait3A_109 : memref<10000x32xf32, #tpu.memory_space<hbm>>) dst(%arg16 : memref<128x32xf32, #tpu.memory_space<vmem>>)
      %dma_wait3A_110 = arith.constant 0 : i32
      %dma_wait3A_111 = arith.constant 0 : i32
      %dma_wait3A_112 = tpu.memref_slice %arg3[%dma_wait3A_110, %dma_wait3A_111] : memref<10000x32xf32, #tpu.memory_space<hbm>> -> memref<10000x32xf32, #tpu.memory_space<hbm>>
      tpu.wait_indirect_dma semaphore(%arg32 : memref<!tpu.dma_semaphore, #tpu.memory_space<semaphore_mem>>) src(%dma_wait3A_112 : memref<10000x32xf32, #tpu.memory_space<hbm>>) dst(%arg17 : memref<128x32xf32, #tpu.memory_space<vmem>>)
      %dma_wait3A_113 = arith.constant 0 : i32
      %dma_wait3A_114 = arith.constant 0 : i32
      %dma_wait3A_115 = tpu.memref_slice %arg4[%dma_wait3A_113, %dma_wait3A_114] : memref<10000x32xf32, #tpu.memory_space<hbm>> -> memref<10000x32xf32, #tpu.memory_space<hbm>>
      tpu.wait_indirect_dma semaphore(%arg32 : memref<!tpu.dma_semaphore, #tpu.memory_space<semaphore_mem>>) src(%dma_wait3A_115 : memref<10000x32xf32, #tpu.memory_space<hbm>>) dst(%arg18 : memref<128x32xf32, #tpu.memory_space<vmem>>)
      %dma_wait3A_116 = arith.constant 0 : i32
      %dma_wait3A_117 = arith.constant 0 : i32
      %dma_wait3A_118 = tpu.memref_slice %arg5[%dma_wait3A_116, %dma_wait3A_117] : memref<10000x32xf32, #tpu.memory_space<hbm>> -> memref<10000x32xf32, #tpu.memory_space<hbm>>
      tpu.wait_indirect_dma semaphore(%arg32 : memref<!tpu.dma_semaphore, #tpu.memory_space<semaphore_mem>>) src(%dma_wait3A_118 : memref<10000x32xf32, #tpu.memory_space<hbm>>) dst(%arg19 : memref<128x32xf32, #tpu.memory_space<vmem>>)
      %add3A_119 = arith.constant 0 : i32
      %add3A_120 = arith.addi %mul3A_106, %add3A_119 : i32
      %mul3A_121 = arith.constant 128 : i32
      %mul3A_122 = arith.muli %add3A_120, %mul3A_121 : i32
      %add3A_123 = arith.addi %mul3A_4, %mul3A_122 : i32
      "tpu.region"() ({
        %run_scoped3A = tpu.sem_alloc : memref<!tpu.dma_semaphore, #tpu.memory_space<semaphore_mem>>
        %dma_start3A_209 = tpu.memref_slice %arg7[%add3A_123] : memref<320000xi32, #tpu.memory_space<hbm>> -> memref<128xi32, #tpu.memory_space<hbm>>
        %dma_start3A_210 = tpu.memref_slice %arg7[%add3A_123] : memref<320000xi32, #tpu.memory_space<hbm>> -> memref<128xi32, #tpu.memory_space<hbm>>
        tpu.enqueue_dma source(%dma_start3A_210 : memref<128xi32, #tpu.memory_space<hbm>>) target(%arg13 : memref<128xi32, #tpu.memory_space<vmem>>) target_semaphore(%run_scoped3A : memref<!tpu.dma_semaphore, #tpu.memory_space<semaphore_mem>>)
        %dma_wait3A_211 = tpu.memref_slice %arg7[%add3A_123] : memref<320000xi32, #tpu.memory_space<hbm>> -> memref<128xi32, #tpu.memory_space<hbm>>
        %dma_wait3A_212 = tpu.memref_slice %arg7[%add3A_123] : memref<320000xi32, #tpu.memory_space<hbm>> -> memref<128xi32, #tpu.memory_space<hbm>>
        tpu.wait_dma2 semaphore(%run_scoped3A : memref<!tpu.dma_semaphore, #tpu.memory_space<semaphore_mem>>) src(%dma_wait3A_212 : memref<128xi32, #tpu.memory_space<hbm>>) dst(%arg13 : memref<128xi32, #tpu.memory_space<vmem>>)
        tpu.yield
      }) : () -> ()
      %dma_start3A_124 = arith.constant 0 : i32
      %dma_start3A_125 = arith.constant 0 : i32
      %dma_start3A_126 = tpu.memref_slice %arg28[%dma_start3A_124, %dma_start3A_125] : memref<10016x32xf32, #tpu.memory_space<vmem_shared>> -> memref<10016x32xf32, #tpu.memory_space<vmem_shared>>
      tpu.enqueue_indirect_dma source(%arg16 : memref<128x32xf32, #tpu.memory_space<vmem>>) target(%dma_start3A_126 : memref<10016x32xf32, #tpu.memory_space<vmem_shared>>) offsets(%arg13 : memref<128xi32, #tpu.memory_space<vmem>>) semaphore(%arg35 : memref<!tpu.dma_semaphore, #tpu.memory_space<semaphore_mem>>) {add = true}
      %dma_start3A_127 = arith.constant 0 : i32
      %dma_start3A_128 = arith.constant 0 : i32
      %dma_start3A_129 = tpu.memref_slice %arg29[%dma_start3A_127, %dma_start3A_128] : memref<10016x32xf32, #tpu.memory_space<vmem_shared>> -> memref<10016x32xf32, #tpu.memory_space<vmem_shared>>
      tpu.enqueue_indirect_dma source(%arg17 : memref<128x32xf32, #tpu.memory_space<vmem>>) target(%dma_start3A_129 : memref<10016x32xf32, #tpu.memory_space<vmem_shared>>) offsets(%arg13 : memref<128xi32, #tpu.memory_space<vmem>>) semaphore(%arg35 : memref<!tpu.dma_semaphore, #tpu.memory_space<semaphore_mem>>) {add = true}
      %dma_start3A_130 = arith.constant 0 : i32
      %dma_start3A_131 = arith.constant 0 : i32
      %dma_start3A_132 = tpu.memref_slice %arg30[%dma_start3A_130, %dma_start3A_131] : memref<10016x32xf32, #tpu.memory_space<vmem_shared>> -> memref<10016x32xf32, #tpu.memory_space<vmem_shared>>
      tpu.enqueue_indirect_dma source(%arg18 : memref<128x32xf32, #tpu.memory_space<vmem>>) target(%dma_start3A_132 : memref<10016x32xf32, #tpu.memory_space<vmem_shared>>) offsets(%arg13 : memref<128xi32, #tpu.memory_space<vmem>>) semaphore(%arg35 : memref<!tpu.dma_semaphore, #tpu.memory_space<semaphore_mem>>) {add = true}
      %dma_start3A_133 = arith.constant 0 : i32
      %dma_start3A_134 = arith.constant 0 : i32
      %dma_start3A_135 = tpu.memref_slice %arg31[%dma_start3A_133, %dma_start3A_134] : memref<10016x32xf32, #tpu.memory_space<vmem_shared>> -> memref<10016x32xf32, #tpu.memory_space<vmem_shared>>
      tpu.enqueue_indirect_dma source(%arg19 : memref<128x32xf32, #tpu.memory_space<vmem>>) target(%dma_start3A_135 : memref<10016x32xf32, #tpu.memory_space<vmem_shared>>) offsets(%arg13 : memref<128xi32, #tpu.memory_space<vmem>>) semaphore(%arg35 : memref<!tpu.dma_semaphore, #tpu.memory_space<semaphore_mem>>) {add = true}
      %lt3A_136 = arith.constant 25 : i32
      %lt3A_137 = arith.cmpi slt, %add3A_104, %lt3A_136 : i32
      %convert_element_type3A_138 = arith.extui %lt3A_137 : i1 to i32
      %cond3A_139 = arith.constant 0 : i32
      %cond3A_140 = arith.cmpi ne, %convert_element_type3A_138, %cond3A_139 : i32
      scf.if %cond3A_140 {
        %dma_wait3A_209 = arith.constant 0 : i32
        %dma_wait3A_210 = arith.constant 0 : i32
        %dma_wait3A_211 = tpu.memref_slice %arg28[%dma_wait3A_209, %dma_wait3A_210] : memref<10016x32xf32, #tpu.memory_space<vmem_shared>> -> memref<10016x32xf32, #tpu.memory_space<vmem_shared>>
        tpu.wait_indirect_dma semaphore(%arg35 : memref<!tpu.dma_semaphore, #tpu.memory_space<semaphore_mem>>) src(%arg16 : memref<128x32xf32, #tpu.memory_space<vmem>>) dst(%dma_wait3A_211 : memref<10016x32xf32, #tpu.memory_space<vmem_shared>>)
        %dma_wait3A_212 = arith.constant 0 : i32
        %dma_wait3A_213 = arith.constant 0 : i32
        %dma_wait3A_214 = tpu.memref_slice %arg29[%dma_wait3A_212, %dma_wait3A_213] : memref<10016x32xf32, #tpu.memory_space<vmem_shared>> -> memref<10016x32xf32, #tpu.memory_space<vmem_shared>>
        tpu.wait_indirect_dma semaphore(%arg35 : memref<!tpu.dma_semaphore, #tpu.memory_space<semaphore_mem>>) src(%arg17 : memref<128x32xf32, #tpu.memory_space<vmem>>) dst(%dma_wait3A_214 : memref<10016x32xf32, #tpu.memory_space<vmem_shared>>)
        %dma_wait3A_215 = arith.constant 0 : i32
        %dma_wait3A_216 = arith.constant 0 : i32
        %dma_wait3A_217 = tpu.memref_slice %arg30[%dma_wait3A_215, %dma_wait3A_216] : memref<10016x32xf32, #tpu.memory_space<vmem_shared>> -> memref<10016x32xf32, #tpu.memory_space<vmem_shared>>
        tpu.wait_indirect_dma semaphore(%arg35 : memref<!tpu.dma_semaphore, #tpu.memory_space<semaphore_mem>>) src(%arg18 : memref<128x32xf32, #tpu.memory_space<vmem>>) dst(%dma_wait3A_217 : memref<10016x32xf32, #tpu.memory_space<vmem_shared>>)
        %dma_wait3A_218 = arith.constant 0 : i32
        %dma_wait3A_219 = arith.constant 0 : i32
        %dma_wait3A_220 = tpu.memref_slice %arg31[%dma_wait3A_218, %dma_wait3A_219] : memref<10016x32xf32, #tpu.memory_space<vmem_shared>> -> memref<10016x32xf32, #tpu.memory_space<vmem_shared>>
        tpu.wait_indirect_dma semaphore(%arg35 : memref<!tpu.dma_semaphore, #tpu.memory_space<semaphore_mem>>) src(%arg19 : memref<128x32xf32, #tpu.memory_space<vmem>>) dst(%dma_wait3A_220 : memref<10016x32xf32, #tpu.memory_space<vmem_shared>>)
        %add3A_221 = arith.constant 0 : i32
        %add3A_222 = arith.addi %mul3A_106, %add3A_221 : i32
        %add3A_223 = arith.constant 3 : i32
        %add3A_224 = arith.addi %add3A_222, %add3A_223 : i32
        %mul3A_225 = arith.constant 128 : i32
        %mul3A_226 = arith.muli %add3A_224, %mul3A_225 : i32
        %add3A_227 = arith.addi %mul3A_4, %mul3A_226 : i32
        "tpu.region"() ({
          %run_scoped3A = tpu.sem_alloc : memref<!tpu.dma_semaphore, #tpu.memory_space<semaphore_mem>>
          %dma_start3A_240 = tpu.memref_slice %arg6[%add3A_227] : memref<320000xi32, #tpu.memory_space<hbm>> -> memref<128xi32, #tpu.memory_space<hbm>>
          %dma_start3A_241 = tpu.memref_slice %arg6[%add3A_227] : memref<320000xi32, #tpu.memory_space<hbm>> -> memref<128xi32, #tpu.memory_space<hbm>>
          tpu.enqueue_dma source(%dma_start3A_241 : memref<128xi32, #tpu.memory_space<hbm>>) target(%arg10 : memref<128xi32, #tpu.memory_space<vmem>>) target_semaphore(%run_scoped3A : memref<!tpu.dma_semaphore, #tpu.memory_space<semaphore_mem>>)
          %dma_wait3A_242 = tpu.memref_slice %arg6[%add3A_227] : memref<320000xi32, #tpu.memory_space<hbm>> -> memref<128xi32, #tpu.memory_space<hbm>>
          %dma_wait3A_243 = tpu.memref_slice %arg6[%add3A_227] : memref<320000xi32, #tpu.memory_space<hbm>> -> memref<128xi32, #tpu.memory_space<hbm>>
          tpu.wait_dma2 semaphore(%run_scoped3A : memref<!tpu.dma_semaphore, #tpu.memory_space<semaphore_mem>>) src(%dma_wait3A_243 : memref<128xi32, #tpu.memory_space<hbm>>) dst(%arg10 : memref<128xi32, #tpu.memory_space<vmem>>)
          tpu.yield
        }) : () -> ()
        %dma_start3A_228 = arith.constant 0 : i32
        %dma_start3A_229 = arith.constant 0 : i32
        %dma_start3A_230 = tpu.memref_slice %arg2[%dma_start3A_228, %dma_start3A_229] : memref<10000x32xf32, #tpu.memory_space<hbm>> -> memref<10000x32xf32, #tpu.memory_space<hbm>>
        tpu.enqueue_indirect_dma source(%dma_start3A_230 : memref<10000x32xf32, #tpu.memory_space<hbm>>) target(%arg16 : memref<128x32xf32, #tpu.memory_space<vmem>>) offsets(%arg10 : memref<128xi32, #tpu.memory_space<vmem>>) semaphore(%arg32 : memref<!tpu.dma_semaphore, #tpu.memory_space<semaphore_mem>>)
        %dma_start3A_231 = arith.constant 0 : i32
        %dma_start3A_232 = arith.constant 0 : i32
        %dma_start3A_233 = tpu.memref_slice %arg3[%dma_start3A_231, %dma_start3A_232] : memref<10000x32xf32, #tpu.memory_space<hbm>> -> memref<10000x32xf32, #tpu.memory_space<hbm>>
        tpu.enqueue_indirect_dma source(%dma_start3A_233 : memref<10000x32xf32, #tpu.memory_space<hbm>>) target(%arg17 : memref<128x32xf32, #tpu.memory_space<vmem>>) offsets(%arg10 : memref<128xi32, #tpu.memory_space<vmem>>) semaphore(%arg32 : memref<!tpu.dma_semaphore, #tpu.memory_space<semaphore_mem>>)
        %dma_start3A_234 = arith.constant 0 : i32
        %dma_start3A_235 = arith.constant 0 : i32
        %dma_start3A_236 = tpu.memref_slice %arg4[%dma_start3A_234, %dma_start3A_235] : memref<10000x32xf32, #tpu.memory_space<hbm>> -> memref<10000x32xf32, #tpu.memory_space<hbm>>
        tpu.enqueue_indirect_dma source(%dma_start3A_236 : memref<10000x32xf32, #tpu.memory_space<hbm>>) target(%arg18 : memref<128x32xf32, #tpu.memory_space<vmem>>) offsets(%arg10 : memref<128xi32, #tpu.memory_space<vmem>>) semaphore(%arg32 : memref<!tpu.dma_semaphore, #tpu.memory_space<semaphore_mem>>)
        %dma_start3A_237 = arith.constant 0 : i32
        %dma_start3A_238 = arith.constant 0 : i32
        %dma_start3A_239 = tpu.memref_slice %arg5[%dma_start3A_237, %dma_start3A_238] : memref<10000x32xf32, #tpu.memory_space<hbm>> -> memref<10000x32xf32, #tpu.memory_space<hbm>>
        tpu.enqueue_indirect_dma source(%dma_start3A_239 : memref<10000x32xf32, #tpu.memory_space<hbm>>) target(%arg19 : memref<128x32xf32, #tpu.memory_space<vmem>>) offsets(%arg10 : memref<128xi32, #tpu.memory_space<vmem>>) semaphore(%arg32 : memref<!tpu.dma_semaphore, #tpu.memory_space<semaphore_mem>>)
      } else {
      }
      %dma_wait3A_141 = arith.constant 0 : i32
      %dma_wait3A_142 = arith.constant 0 : i32
      %dma_wait3A_143 = tpu.memref_slice %arg2[%dma_wait3A_141, %dma_wait3A_142] : memref<10000x32xf32, #tpu.memory_space<hbm>> -> memref<10000x32xf32, #tpu.memory_space<hbm>>
      tpu.wait_indirect_dma semaphore(%arg33 : memref<!tpu.dma_semaphore, #tpu.memory_space<semaphore_mem>>) src(%dma_wait3A_143 : memref<10000x32xf32, #tpu.memory_space<hbm>>) dst(%arg20 : memref<128x32xf32, #tpu.memory_space<vmem>>)
      %dma_wait3A_144 = arith.constant 0 : i32
      %dma_wait3A_145 = arith.constant 0 : i32
      %dma_wait3A_146 = tpu.memref_slice %arg3[%dma_wait3A_144, %dma_wait3A_145] : memref<10000x32xf32, #tpu.memory_space<hbm>> -> memref<10000x32xf32, #tpu.memory_space<hbm>>
      tpu.wait_indirect_dma semaphore(%arg33 : memref<!tpu.dma_semaphore, #tpu.memory_space<semaphore_mem>>) src(%dma_wait3A_146 : memref<10000x32xf32, #tpu.memory_space<hbm>>) dst(%arg21 : memref<128x32xf32, #tpu.memory_space<vmem>>)
      %dma_wait3A_147 = arith.constant 0 : i32
      %dma_wait3A_148 = arith.constant 0 : i32
      %dma_wait3A_149 = tpu.memref_slice %arg4[%dma_wait3A_147, %dma_wait3A_148] : memref<10000x32xf32, #tpu.memory_space<hbm>> -> memref<10000x32xf32, #tpu.memory_space<hbm>>
      tpu.wait_indirect_dma semaphore(%arg33 : memref<!tpu.dma_semaphore, #tpu.memory_space<semaphore_mem>>) src(%dma_wait3A_149 : memref<10000x32xf32, #tpu.memory_space<hbm>>) dst(%arg22 : memref<128x32xf32, #tpu.memory_space<vmem>>)
      %dma_wait3A_150 = arith.constant 0 : i32
      %dma_wait3A_151 = arith.constant 0 : i32
      %dma_wait3A_152 = tpu.memref_slice %arg5[%dma_wait3A_150, %dma_wait3A_151] : memref<10000x32xf32, #tpu.memory_space<hbm>> -> memref<10000x32xf32, #tpu.memory_space<hbm>>
      tpu.wait_indirect_dma semaphore(%arg33 : memref<!tpu.dma_semaphore, #tpu.memory_space<semaphore_mem>>) src(%dma_wait3A_152 : memref<10000x32xf32, #tpu.memory_space<hbm>>) dst(%arg23 : memref<128x32xf32, #tpu.memory_space<vmem>>)
      %add3A_153 = arith.constant 1 : i32
      %add3A_154 = arith.addi %mul3A_106, %add3A_153 : i32
      %mul3A_155 = arith.constant 128 : i32
      %mul3A_156 = arith.muli %add3A_154, %mul3A_155 : i32
      %add3A_157 = arith.addi %mul3A_4, %mul3A_156 : i32
      "tpu.region"() ({
        %run_scoped3A = tpu.sem_alloc : memref<!tpu.dma_semaphore, #tpu.memory_space<semaphore_mem>>
        %dma_start3A_209 = tpu.memref_slice %arg7[%add3A_157] : memref<320000xi32, #tpu.memory_space<hbm>> -> memref<128xi32, #tpu.memory_space<hbm>>
        %dma_start3A_210 = tpu.memref_slice %arg7[%add3A_157] : memref<320000xi32, #tpu.memory_space<hbm>> -> memref<128xi32, #tpu.memory_space<hbm>>
        tpu.enqueue_dma source(%dma_start3A_210 : memref<128xi32, #tpu.memory_space<hbm>>) target(%arg14 : memref<128xi32, #tpu.memory_space<vmem>>) target_semaphore(%run_scoped3A : memref<!tpu.dma_semaphore, #tpu.memory_space<semaphore_mem>>)
        %dma_wait3A_211 = tpu.memref_slice %arg7[%add3A_157] : memref<320000xi32, #tpu.memory_space<hbm>> -> memref<128xi32, #tpu.memory_space<hbm>>
        %dma_wait3A_212 = tpu.memref_slice %arg7[%add3A_157] : memref<320000xi32, #tpu.memory_space<hbm>> -> memref<128xi32, #tpu.memory_space<hbm>>
        tpu.wait_dma2 semaphore(%run_scoped3A : memref<!tpu.dma_semaphore, #tpu.memory_space<semaphore_mem>>) src(%dma_wait3A_212 : memref<128xi32, #tpu.memory_space<hbm>>) dst(%arg14 : memref<128xi32, #tpu.memory_space<vmem>>)
        tpu.yield
      }) : () -> ()
      %dma_start3A_158 = arith.constant 0 : i32
      %dma_start3A_159 = arith.constant 0 : i32
      %dma_start3A_160 = tpu.memref_slice %arg28[%dma_start3A_158, %dma_start3A_159] : memref<10016x32xf32, #tpu.memory_space<vmem_shared>> -> memref<10016x32xf32, #tpu.memory_space<vmem_shared>>
      tpu.enqueue_indirect_dma source(%arg20 : memref<128x32xf32, #tpu.memory_space<vmem>>) target(%dma_start3A_160 : memref<10016x32xf32, #tpu.memory_space<vmem_shared>>) offsets(%arg14 : memref<128xi32, #tpu.memory_space<vmem>>) semaphore(%arg36 : memref<!tpu.dma_semaphore, #tpu.memory_space<semaphore_mem>>) {add = true}
      %dma_start3A_161 = arith.constant 0 : i32
      %dma_start3A_162 = arith.constant 0 : i32
      %dma_start3A_163 = tpu.memref_slice %arg29[%dma_start3A_161, %dma_start3A_162] : memref<10016x32xf32, #tpu.memory_space<vmem_shared>> -> memref<10016x32xf32, #tpu.memory_space<vmem_shared>>
      tpu.enqueue_indirect_dma source(%arg21 : memref<128x32xf32, #tpu.memory_space<vmem>>) target(%dma_start3A_163 : memref<10016x32xf32, #tpu.memory_space<vmem_shared>>) offsets(%arg14 : memref<128xi32, #tpu.memory_space<vmem>>) semaphore(%arg36 : memref<!tpu.dma_semaphore, #tpu.memory_space<semaphore_mem>>) {add = true}
      %dma_start3A_164 = arith.constant 0 : i32
      %dma_start3A_165 = arith.constant 0 : i32
      %dma_start3A_166 = tpu.memref_slice %arg30[%dma_start3A_164, %dma_start3A_165] : memref<10016x32xf32, #tpu.memory_space<vmem_shared>> -> memref<10016x32xf32, #tpu.memory_space<vmem_shared>>
      tpu.enqueue_indirect_dma source(%arg22 : memref<128x32xf32, #tpu.memory_space<vmem>>) target(%dma_start3A_166 : memref<10016x32xf32, #tpu.memory_space<vmem_shared>>) offsets(%arg14 : memref<128xi32, #tpu.memory_space<vmem>>) semaphore(%arg36 : memref<!tpu.dma_semaphore, #tpu.memory_space<semaphore_mem>>) {add = true}
      %dma_start3A_167 = arith.constant 0 : i32
      %dma_start3A_168 = arith.constant 0 : i32
      %dma_start3A_169 = tpu.memref_slice %arg31[%dma_start3A_167, %dma_start3A_168] : memref<10016x32xf32, #tpu.memory_space<vmem_shared>> -> memref<10016x32xf32, #tpu.memory_space<vmem_shared>>
      tpu.enqueue_indirect_dma source(%arg23 : memref<128x32xf32, #tpu.memory_space<vmem>>) target(%dma_start3A_169 : memref<10016x32xf32, #tpu.memory_space<vmem_shared>>) offsets(%arg14 : memref<128xi32, #tpu.memory_space<vmem>>) semaphore(%arg36 : memref<!tpu.dma_semaphore, #tpu.memory_space<semaphore_mem>>) {add = true}
      %lt3A_170 = arith.constant 25 : i32
      %lt3A_171 = arith.cmpi slt, %add3A_104, %lt3A_170 : i32
      %convert_element_type3A_172 = arith.extui %lt3A_171 : i1 to i32
      %cond3A_173 = arith.constant 0 : i32
      %cond3A_174 = arith.cmpi ne, %convert_element_type3A_172, %cond3A_173 : i32
      scf.if %cond3A_174 {
        %dma_wait3A_209 = arith.constant 0 : i32
        %dma_wait3A_210 = arith.constant 0 : i32
        %dma_wait3A_211 = tpu.memref_slice %arg28[%dma_wait3A_209, %dma_wait3A_210] : memref<10016x32xf32, #tpu.memory_space<vmem_shared>> -> memref<10016x32xf32, #tpu.memory_space<vmem_shared>>
        tpu.wait_indirect_dma semaphore(%arg36 : memref<!tpu.dma_semaphore, #tpu.memory_space<semaphore_mem>>) src(%arg20 : memref<128x32xf32, #tpu.memory_space<vmem>>) dst(%dma_wait3A_211 : memref<10016x32xf32, #tpu.memory_space<vmem_shared>>)
        %dma_wait3A_212 = arith.constant 0 : i32
        %dma_wait3A_213 = arith.constant 0 : i32
        %dma_wait3A_214 = tpu.memref_slice %arg29[%dma_wait3A_212, %dma_wait3A_213] : memref<10016x32xf32, #tpu.memory_space<vmem_shared>> -> memref<10016x32xf32, #tpu.memory_space<vmem_shared>>
        tpu.wait_indirect_dma semaphore(%arg36 : memref<!tpu.dma_semaphore, #tpu.memory_space<semaphore_mem>>) src(%arg21 : memref<128x32xf32, #tpu.memory_space<vmem>>) dst(%dma_wait3A_214 : memref<10016x32xf32, #tpu.memory_space<vmem_shared>>)
        %dma_wait3A_215 = arith.constant 0 : i32
        %dma_wait3A_216 = arith.constant 0 : i32
        %dma_wait3A_217 = tpu.memref_slice %arg30[%dma_wait3A_215, %dma_wait3A_216] : memref<10016x32xf32, #tpu.memory_space<vmem_shared>> -> memref<10016x32xf32, #tpu.memory_space<vmem_shared>>
        tpu.wait_indirect_dma semaphore(%arg36 : memref<!tpu.dma_semaphore, #tpu.memory_space<semaphore_mem>>) src(%arg22 : memref<128x32xf32, #tpu.memory_space<vmem>>) dst(%dma_wait3A_217 : memref<10016x32xf32, #tpu.memory_space<vmem_shared>>)
        %dma_wait3A_218 = arith.constant 0 : i32
        %dma_wait3A_219 = arith.constant 0 : i32
        %dma_wait3A_220 = tpu.memref_slice %arg31[%dma_wait3A_218, %dma_wait3A_219] : memref<10016x32xf32, #tpu.memory_space<vmem_shared>> -> memref<10016x32xf32, #tpu.memory_space<vmem_shared>>
        tpu.wait_indirect_dma semaphore(%arg36 : memref<!tpu.dma_semaphore, #tpu.memory_space<semaphore_mem>>) src(%arg23 : memref<128x32xf32, #tpu.memory_space<vmem>>) dst(%dma_wait3A_220 : memref<10016x32xf32, #tpu.memory_space<vmem_shared>>)
        %add3A_221 = arith.constant 1 : i32
        %add3A_222 = arith.addi %mul3A_106, %add3A_221 : i32
        %add3A_223 = arith.constant 3 : i32
        %add3A_224 = arith.addi %add3A_222, %add3A_223 : i32
        %mul3A_225 = arith.constant 128 : i32
        %mul3A_226 = arith.muli %add3A_224, %mul3A_225 : i32
        %add3A_227 = arith.addi %mul3A_4, %mul3A_226 : i32
        "tpu.region"() ({
          %run_scoped3A = tpu.sem_alloc : memref<!tpu.dma_semaphore, #tpu.memory_space<semaphore_mem>>
          %dma_start3A_240 = tpu.memref_slice %arg6[%add3A_227] : memref<320000xi32, #tpu.memory_space<hbm>> -> memref<128xi32, #tpu.memory_space<hbm>>
          %dma_start3A_241 = tpu.memref_slice %arg6[%add3A_227] : memref<320000xi32, #tpu.memory_space<hbm>> -> memref<128xi32, #tpu.memory_space<hbm>>
          tpu.enqueue_dma source(%dma_start3A_241 : memref<128xi32, #tpu.memory_space<hbm>>) target(%arg11 : memref<128xi32, #tpu.memory_space<vmem>>) target_semaphore(%run_scoped3A : memref<!tpu.dma_semaphore, #tpu.memory_space<semaphore_mem>>)
          %dma_wait3A_242 = tpu.memref_slice %arg6[%add3A_227] : memref<320000xi32, #tpu.memory_space<hbm>> -> memref<128xi32, #tpu.memory_space<hbm>>
          %dma_wait3A_243 = tpu.memref_slice %arg6[%add3A_227] : memref<320000xi32, #tpu.memory_space<hbm>> -> memref<128xi32, #tpu.memory_space<hbm>>
          tpu.wait_dma2 semaphore(%run_scoped3A : memref<!tpu.dma_semaphore, #tpu.memory_space<semaphore_mem>>) src(%dma_wait3A_243 : memref<128xi32, #tpu.memory_space<hbm>>) dst(%arg11 : memref<128xi32, #tpu.memory_space<vmem>>)
          tpu.yield
        }) : () -> ()
        %dma_start3A_228 = arith.constant 0 : i32
        %dma_start3A_229 = arith.constant 0 : i32
        %dma_start3A_230 = tpu.memref_slice %arg2[%dma_start3A_228, %dma_start3A_229] : memref<10000x32xf32, #tpu.memory_space<hbm>> -> memref<10000x32xf32, #tpu.memory_space<hbm>>
        tpu.enqueue_indirect_dma source(%dma_start3A_230 : memref<10000x32xf32, #tpu.memory_space<hbm>>) target(%arg20 : memref<128x32xf32, #tpu.memory_space<vmem>>) offsets(%arg11 : memref<128xi32, #tpu.memory_space<vmem>>) semaphore(%arg33 : memref<!tpu.dma_semaphore, #tpu.memory_space<semaphore_mem>>)
        %dma_start3A_231 = arith.constant 0 : i32
        %dma_start3A_232 = arith.constant 0 : i32
        %dma_start3A_233 = tpu.memref_slice %arg3[%dma_start3A_231, %dma_start3A_232] : memref<10000x32xf32, #tpu.memory_space<hbm>> -> memref<10000x32xf32, #tpu.memory_space<hbm>>
        tpu.enqueue_indirect_dma source(%dma_start3A_233 : memref<10000x32xf32, #tpu.memory_space<hbm>>) target(%arg21 : memref<128x32xf32, #tpu.memory_space<vmem>>) offsets(%arg11 : memref<128xi32, #tpu.memory_space<vmem>>) semaphore(%arg33 : memref<!tpu.dma_semaphore, #tpu.memory_space<semaphore_mem>>)
        %dma_start3A_234 = arith.constant 0 : i32
        %dma_start3A_235 = arith.constant 0 : i32
        %dma_start3A_236 = tpu.memref_slice %arg4[%dma_start3A_234, %dma_start3A_235] : memref<10000x32xf32, #tpu.memory_space<hbm>> -> memref<10000x32xf32, #tpu.memory_space<hbm>>
        tpu.enqueue_indirect_dma source(%dma_start3A_236 : memref<10000x32xf32, #tpu.memory_space<hbm>>) target(%arg22 : memref<128x32xf32, #tpu.memory_space<vmem>>) offsets(%arg11 : memref<128xi32, #tpu.memory_space<vmem>>) semaphore(%arg33 : memref<!tpu.dma_semaphore, #tpu.memory_space<semaphore_mem>>)
        %dma_start3A_237 = arith.constant 0 : i32
        %dma_start3A_238 = arith.constant 0 : i32
        %dma_start3A_239 = tpu.memref_slice %arg5[%dma_start3A_237, %dma_start3A_238] : memref<10000x32xf32, #tpu.memory_space<hbm>> -> memref<10000x32xf32, #tpu.memory_space<hbm>>
        tpu.enqueue_indirect_dma source(%dma_start3A_239 : memref<10000x32xf32, #tpu.memory_space<hbm>>) target(%arg23 : memref<128x32xf32, #tpu.memory_space<vmem>>) offsets(%arg11 : memref<128xi32, #tpu.memory_space<vmem>>) semaphore(%arg33 : memref<!tpu.dma_semaphore, #tpu.memory_space<semaphore_mem>>)
      } else {
      }
      %dma_wait3A_175 = arith.constant 0 : i32
      %dma_wait3A_176 = arith.constant 0 : i32
      %dma_wait3A_177 = tpu.memref_slice %arg2[%dma_wait3A_175, %dma_wait3A_176] : memref<10000x32xf32, #tpu.memory_space<hbm>> -> memref<10000x32xf32, #tpu.memory_space<hbm>>
      tpu.wait_indirect_dma semaphore(%arg34 : memref<!tpu.dma_semaphore, #tpu.memory_space<semaphore_mem>>) src(%dma_wait3A_177 : memref<10000x32xf32, #tpu.memory_space<hbm>>) dst(%arg24 : memref<128x32xf32, #tpu.memory_space<vmem>>)
      %dma_wait3A_178 = arith.constant 0 : i32
      %dma_wait3A_179 = arith.constant 0 : i32
      %dma_wait3A_180 = tpu.memref_slice %arg3[%dma_wait3A_178, %dma_wait3A_179] : memref<10000x32xf32, #tpu.memory_space<hbm>> -> memref<10000x32xf32, #tpu.memory_space<hbm>>
      tpu.wait_indirect_dma semaphore(%arg34 : memref<!tpu.dma_semaphore, #tpu.memory_space<semaphore_mem>>) src(%dma_wait3A_180 : memref<10000x32xf32, #tpu.memory_space<hbm>>) dst(%arg25 : memref<128x32xf32, #tpu.memory_space<vmem>>)
      %dma_wait3A_181 = arith.constant 0 : i32
      %dma_wait3A_182 = arith.constant 0 : i32
      %dma_wait3A_183 = tpu.memref_slice %arg4[%dma_wait3A_181, %dma_wait3A_182] : memref<10000x32xf32, #tpu.memory_space<hbm>> -> memref<10000x32xf32, #tpu.memory_space<hbm>>
      tpu.wait_indirect_dma semaphore(%arg34 : memref<!tpu.dma_semaphore, #tpu.memory_space<semaphore_mem>>) src(%dma_wait3A_183 : memref<10000x32xf32, #tpu.memory_space<hbm>>) dst(%arg26 : memref<128x32xf32, #tpu.memory_space<vmem>>)
      %dma_wait3A_184 = arith.constant 0 : i32
      %dma_wait3A_185 = arith.constant 0 : i32
      %dma_wait3A_186 = tpu.memref_slice %arg5[%dma_wait3A_184, %dma_wait3A_185] : memref<10000x32xf32, #tpu.memory_space<hbm>> -> memref<10000x32xf32, #tpu.memory_space<hbm>>
      tpu.wait_indirect_dma semaphore(%arg34 : memref<!tpu.dma_semaphore, #tpu.memory_space<semaphore_mem>>) src(%dma_wait3A_186 : memref<10000x32xf32, #tpu.memory_space<hbm>>) dst(%arg27 : memref<128x32xf32, #tpu.memory_space<vmem>>)
      %add3A_187 = arith.constant 2 : i32
      %add3A_188 = arith.addi %mul3A_106, %add3A_187 : i32
      %mul3A_189 = arith.constant 128 : i32
      %mul3A_190 = arith.muli %add3A_188, %mul3A_189 : i32
      %add3A_191 = arith.addi %mul3A_4, %mul3A_190 : i32
      "tpu.region"() ({
        %run_scoped3A = tpu.sem_alloc : memref<!tpu.dma_semaphore, #tpu.memory_space<semaphore_mem>>
        %dma_start3A_209 = tpu.memref_slice %arg7[%add3A_191] : memref<320000xi32, #tpu.memory_space<hbm>> -> memref<128xi32, #tpu.memory_space<hbm>>
        %dma_start3A_210 = tpu.memref_slice %arg7[%add3A_191] : memref<320000xi32, #tpu.memory_space<hbm>> -> memref<128xi32, #tpu.memory_space<hbm>>
        tpu.enqueue_dma source(%dma_start3A_210 : memref<128xi32, #tpu.memory_space<hbm>>) target(%arg15 : memref<128xi32, #tpu.memory_space<vmem>>) target_semaphore(%run_scoped3A : memref<!tpu.dma_semaphore, #tpu.memory_space<semaphore_mem>>)
        %dma_wait3A_211 = tpu.memref_slice %arg7[%add3A_191] : memref<320000xi32, #tpu.memory_space<hbm>> -> memref<128xi32, #tpu.memory_space<hbm>>
        %dma_wait3A_212 = tpu.memref_slice %arg7[%add3A_191] : memref<320000xi32, #tpu.memory_space<hbm>> -> memref<128xi32, #tpu.memory_space<hbm>>
        tpu.wait_dma2 semaphore(%run_scoped3A : memref<!tpu.dma_semaphore, #tpu.memory_space<semaphore_mem>>) src(%dma_wait3A_212 : memref<128xi32, #tpu.memory_space<hbm>>) dst(%arg15 : memref<128xi32, #tpu.memory_space<vmem>>)
        tpu.yield
      }) : () -> ()
      %dma_start3A_192 = arith.constant 0 : i32
      %dma_start3A_193 = arith.constant 0 : i32
      %dma_start3A_194 = tpu.memref_slice %arg28[%dma_start3A_192, %dma_start3A_193] : memref<10016x32xf32, #tpu.memory_space<vmem_shared>> -> memref<10016x32xf32, #tpu.memory_space<vmem_shared>>
      tpu.enqueue_indirect_dma source(%arg24 : memref<128x32xf32, #tpu.memory_space<vmem>>) target(%dma_start3A_194 : memref<10016x32xf32, #tpu.memory_space<vmem_shared>>) offsets(%arg15 : memref<128xi32, #tpu.memory_space<vmem>>) semaphore(%arg37 : memref<!tpu.dma_semaphore, #tpu.memory_space<semaphore_mem>>) {add = true}
      %dma_start3A_195 = arith.constant 0 : i32
      %dma_start3A_196 = arith.constant 0 : i32
      %dma_start3A_197 = tpu.memref_slice %arg29[%dma_start3A_195, %dma_start3A_196] : memref<10016x32xf32, #tpu.memory_space<vmem_shared>> -> memref<10016x32xf32, #tpu.memory_space<vmem_shared>>
      tpu.enqueue_indirect_dma source(%arg25 : memref<128x32xf32, #tpu.memory_space<vmem>>) target(%dma_start3A_197 : memref<10016x32xf32, #tpu.memory_space<vmem_shared>>) offsets(%arg15 : memref<128xi32, #tpu.memory_space<vmem>>) semaphore(%arg37 : memref<!tpu.dma_semaphore, #tpu.memory_space<semaphore_mem>>) {add = true}
      %dma_start3A_198 = arith.constant 0 : i32
      %dma_start3A_199 = arith.constant 0 : i32
      %dma_start3A_200 = tpu.memref_slice %arg30[%dma_start3A_198, %dma_start3A_199] : memref<10016x32xf32, #tpu.memory_space<vmem_shared>> -> memref<10016x32xf32, #tpu.memory_space<vmem_shared>>
      tpu.enqueue_indirect_dma source(%arg26 : memref<128x32xf32, #tpu.memory_space<vmem>>) target(%dma_start3A_200 : memref<10016x32xf32, #tpu.memory_space<vmem_shared>>) offsets(%arg15 : memref<128xi32, #tpu.memory_space<vmem>>) semaphore(%arg37 : memref<!tpu.dma_semaphore, #tpu.memory_space<semaphore_mem>>) {add = true}
      %dma_start3A_201 = arith.constant 0 : i32
      %dma_start3A_202 = arith.constant 0 : i32
      %dma_start3A_203 = tpu.memref_slice %arg31[%dma_start3A_201, %dma_start3A_202] : memref<10016x32xf32, #tpu.memory_space<vmem_shared>> -> memref<10016x32xf32, #tpu.memory_space<vmem_shared>>
      tpu.enqueue_indirect_dma source(%arg27 : memref<128x32xf32, #tpu.memory_space<vmem>>) target(%dma_start3A_203 : memref<10016x32xf32, #tpu.memory_space<vmem_shared>>) offsets(%arg15 : memref<128xi32, #tpu.memory_space<vmem>>) semaphore(%arg37 : memref<!tpu.dma_semaphore, #tpu.memory_space<semaphore_mem>>) {add = true}
      %lt3A_204 = arith.constant 25 : i32
      %lt3A_205 = arith.cmpi slt, %add3A_104, %lt3A_204 : i32
      %convert_element_type3A_206 = arith.extui %lt3A_205 : i1 to i32
      %cond3A_207 = arith.constant 0 : i32
      %cond3A_208 = arith.cmpi ne, %convert_element_type3A_206, %cond3A_207 : i32
      scf.if %cond3A_208 {
        %dma_wait3A_209 = arith.constant 0 : i32
        %dma_wait3A_210 = arith.constant 0 : i32
        %dma_wait3A_211 = tpu.memref_slice %arg28[%dma_wait3A_209, %dma_wait3A_210] : memref<10016x32xf32, #tpu.memory_space<vmem_shared>> -> memref<10016x32xf32, #tpu.memory_space<vmem_shared>>
        tpu.wait_indirect_dma semaphore(%arg37 : memref<!tpu.dma_semaphore, #tpu.memory_space<semaphore_mem>>) src(%arg24 : memref<128x32xf32, #tpu.memory_space<vmem>>) dst(%dma_wait3A_211 : memref<10016x32xf32, #tpu.memory_space<vmem_shared>>)
        %dma_wait3A_212 = arith.constant 0 : i32
        %dma_wait3A_213 = arith.constant 0 : i32
        %dma_wait3A_214 = tpu.memref_slice %arg29[%dma_wait3A_212, %dma_wait3A_213] : memref<10016x32xf32, #tpu.memory_space<vmem_shared>> -> memref<10016x32xf32, #tpu.memory_space<vmem_shared>>
        tpu.wait_indirect_dma semaphore(%arg37 : memref<!tpu.dma_semaphore, #tpu.memory_space<semaphore_mem>>) src(%arg25 : memref<128x32xf32, #tpu.memory_space<vmem>>) dst(%dma_wait3A_214 : memref<10016x32xf32, #tpu.memory_space<vmem_shared>>)
        %dma_wait3A_215 = arith.constant 0 : i32
        %dma_wait3A_216 = arith.constant 0 : i32
        %dma_wait3A_217 = tpu.memref_slice %arg30[%dma_wait3A_215, %dma_wait3A_216] : memref<10016x32xf32, #tpu.memory_space<vmem_shared>> -> memref<10016x32xf32, #tpu.memory_space<vmem_shared>>
        tpu.wait_indirect_dma semaphore(%arg37 : memref<!tpu.dma_semaphore, #tpu.memory_space<semaphore_mem>>) src(%arg26 : memref<128x32xf32, #tpu.memory_space<vmem>>) dst(%dma_wait3A_217 : memref<10016x32xf32, #tpu.memory_space<vmem_shared>>)
        %dma_wait3A_218 = arith.constant 0 : i32
        %dma_wait3A_219 = arith.constant 0 : i32
        %dma_wait3A_220 = tpu.memref_slice %arg31[%dma_wait3A_218, %dma_wait3A_219] : memref<10016x32xf32, #tpu.memory_space<vmem_shared>> -> memref<10016x32xf32, #tpu.memory_space<vmem_shared>>
        tpu.wait_indirect_dma semaphore(%arg37 : memref<!tpu.dma_semaphore, #tpu.memory_space<semaphore_mem>>) src(%arg27 : memref<128x32xf32, #tpu.memory_space<vmem>>) dst(%dma_wait3A_220 : memref<10016x32xf32, #tpu.memory_space<vmem_shared>>)
        %add3A_221 = arith.constant 2 : i32
        %add3A_222 = arith.addi %mul3A_106, %add3A_221 : i32
        %add3A_223 = arith.constant 3 : i32
        %add3A_224 = arith.addi %add3A_222, %add3A_223 : i32
        %mul3A_225 = arith.constant 128 : i32
        %mul3A_226 = arith.muli %add3A_224, %mul3A_225 : i32
        %add3A_227 = arith.addi %mul3A_4, %mul3A_226 : i32
        "tpu.region"() ({
          %run_scoped3A = tpu.sem_alloc : memref<!tpu.dma_semaphore, #tpu.memory_space<semaphore_mem>>
          %dma_start3A_240 = tpu.memref_slice %arg6[%add3A_227] : memref<320000xi32, #tpu.memory_space<hbm>> -> memref<128xi32, #tpu.memory_space<hbm>>
          %dma_start3A_241 = tpu.memref_slice %arg6[%add3A_227] : memref<320000xi32, #tpu.memory_space<hbm>> -> memref<128xi32, #tpu.memory_space<hbm>>
          tpu.enqueue_dma source(%dma_start3A_241 : memref<128xi32, #tpu.memory_space<hbm>>) target(%arg12 : memref<128xi32, #tpu.memory_space<vmem>>) target_semaphore(%run_scoped3A : memref<!tpu.dma_semaphore, #tpu.memory_space<semaphore_mem>>)
          %dma_wait3A_242 = tpu.memref_slice %arg6[%add3A_227] : memref<320000xi32, #tpu.memory_space<hbm>> -> memref<128xi32, #tpu.memory_space<hbm>>
          %dma_wait3A_243 = tpu.memref_slice %arg6[%add3A_227] : memref<320000xi32, #tpu.memory_space<hbm>> -> memref<128xi32, #tpu.memory_space<hbm>>
          tpu.wait_dma2 semaphore(%run_scoped3A : memref<!tpu.dma_semaphore, #tpu.memory_space<semaphore_mem>>) src(%dma_wait3A_243 : memref<128xi32, #tpu.memory_space<hbm>>) dst(%arg12 : memref<128xi32, #tpu.memory_space<vmem>>)
          tpu.yield
        }) : () -> ()
        %dma_start3A_228 = arith.constant 0 : i32
        %dma_start3A_229 = arith.constant 0 : i32
        %dma_start3A_230 = tpu.memref_slice %arg2[%dma_start3A_228, %dma_start3A_229] : memref<10000x32xf32, #tpu.memory_space<hbm>> -> memref<10000x32xf32, #tpu.memory_space<hbm>>
        tpu.enqueue_indirect_dma source(%dma_start3A_230 : memref<10000x32xf32, #tpu.memory_space<hbm>>) target(%arg24 : memref<128x32xf32, #tpu.memory_space<vmem>>) offsets(%arg12 : memref<128xi32, #tpu.memory_space<vmem>>) semaphore(%arg34 : memref<!tpu.dma_semaphore, #tpu.memory_space<semaphore_mem>>)
        %dma_start3A_231 = arith.constant 0 : i32
        %dma_start3A_232 = arith.constant 0 : i32
        %dma_start3A_233 = tpu.memref_slice %arg3[%dma_start3A_231, %dma_start3A_232] : memref<10000x32xf32, #tpu.memory_space<hbm>> -> memref<10000x32xf32, #tpu.memory_space<hbm>>
        tpu.enqueue_indirect_dma source(%dma_start3A_233 : memref<10000x32xf32, #tpu.memory_space<hbm>>) target(%arg25 : memref<128x32xf32, #tpu.memory_space<vmem>>) offsets(%arg12 : memref<128xi32, #tpu.memory_space<vmem>>) semaphore(%arg34 : memref<!tpu.dma_semaphore, #tpu.memory_space<semaphore_mem>>)
        %dma_start3A_234 = arith.constant 0 : i32
        %dma_start3A_235 = arith.constant 0 : i32
        %dma_start3A_236 = tpu.memref_slice %arg4[%dma_start3A_234, %dma_start3A_235] : memref<10000x32xf32, #tpu.memory_space<hbm>> -> memref<10000x32xf32, #tpu.memory_space<hbm>>
        tpu.enqueue_indirect_dma source(%dma_start3A_236 : memref<10000x32xf32, #tpu.memory_space<hbm>>) target(%arg26 : memref<128x32xf32, #tpu.memory_space<vmem>>) offsets(%arg12 : memref<128xi32, #tpu.memory_space<vmem>>) semaphore(%arg34 : memref<!tpu.dma_semaphore, #tpu.memory_space<semaphore_mem>>)
        %dma_start3A_237 = arith.constant 0 : i32
        %dma_start3A_238 = arith.constant 0 : i32
        %dma_start3A_239 = tpu.memref_slice %arg5[%dma_start3A_237, %dma_start3A_238] : memref<10000x32xf32, #tpu.memory_space<hbm>> -> memref<10000x32xf32, #tpu.memory_space<hbm>>
        tpu.enqueue_indirect_dma source(%dma_start3A_239 : memref<10000x32xf32, #tpu.memory_space<hbm>>) target(%arg27 : memref<128x32xf32, #tpu.memory_space<vmem>>) offsets(%arg12 : memref<128xi32, #tpu.memory_space<vmem>>) semaphore(%arg34 : memref<!tpu.dma_semaphore, #tpu.memory_space<semaphore_mem>>)
      } else {
      }
    }
    %scan3A_49 = arith.constant 26 : i32
    %dma_wait3A = arith.constant 0 : i32
    %dma_wait3A_50 = arith.constant 0 : i32
    %dma_wait3A_51 = tpu.memref_slice %arg28[%dma_wait3A, %dma_wait3A_50] : memref<10016x32xf32, #tpu.memory_space<vmem_shared>> -> memref<10016x32xf32, #tpu.memory_space<vmem_shared>>
    tpu.wait_indirect_dma semaphore(%arg35 : memref<!tpu.dma_semaphore, #tpu.memory_space<semaphore_mem>>) src(%arg16 : memref<128x32xf32, #tpu.memory_space<vmem>>) dst(%dma_wait3A_51 : memref<10016x32xf32, #tpu.memory_space<vmem_shared>>)
    %dma_wait3A_52 = arith.constant 0 : i32
    %dma_wait3A_53 = arith.constant 0 : i32
    %dma_wait3A_54 = tpu.memref_slice %arg29[%dma_wait3A_52, %dma_wait3A_53] : memref<10016x32xf32, #tpu.memory_space<vmem_shared>> -> memref<10016x32xf32, #tpu.memory_space<vmem_shared>>
    tpu.wait_indirect_dma semaphore(%arg35 : memref<!tpu.dma_semaphore, #tpu.memory_space<semaphore_mem>>) src(%arg17 : memref<128x32xf32, #tpu.memory_space<vmem>>) dst(%dma_wait3A_54 : memref<10016x32xf32, #tpu.memory_space<vmem_shared>>)
    %dma_wait3A_55 = arith.constant 0 : i32
    %dma_wait3A_56 = arith.constant 0 : i32
    %dma_wait3A_57 = tpu.memref_slice %arg30[%dma_wait3A_55, %dma_wait3A_56] : memref<10016x32xf32, #tpu.memory_space<vmem_shared>> -> memref<10016x32xf32, #tpu.memory_space<vmem_shared>>
    tpu.wait_indirect_dma semaphore(%arg35 : memref<!tpu.dma_semaphore, #tpu.memory_space<semaphore_mem>>) src(%arg18 : memref<128x32xf32, #tpu.memory_space<vmem>>) dst(%dma_wait3A_57 : memref<10016x32xf32, #tpu.memory_space<vmem_shared>>)
    %dma_wait3A_58 = arith.constant 0 : i32
    %dma_wait3A_59 = arith.constant 0 : i32
    %dma_wait3A_60 = tpu.memref_slice %arg31[%dma_wait3A_58, %dma_wait3A_59] : memref<10016x32xf32, #tpu.memory_space<vmem_shared>> -> memref<10016x32xf32, #tpu.memory_space<vmem_shared>>
    tpu.wait_indirect_dma semaphore(%arg35 : memref<!tpu.dma_semaphore, #tpu.memory_space<semaphore_mem>>) src(%arg19 : memref<128x32xf32, #tpu.memory_space<vmem>>) dst(%dma_wait3A_60 : memref<10016x32xf32, #tpu.memory_space<vmem_shared>>)
    %dma_wait3A_61 = arith.constant 0 : i32
    %dma_wait3A_62 = arith.constant 0 : i32
    %dma_wait3A_63 = tpu.memref_slice %arg28[%dma_wait3A_61, %dma_wait3A_62] : memref<10016x32xf32, #tpu.memory_space<vmem_shared>> -> memref<10016x32xf32, #tpu.memory_space<vmem_shared>>
    tpu.wait_indirect_dma semaphore(%arg36 : memref<!tpu.dma_semaphore, #tpu.memory_space<semaphore_mem>>) src(%arg20 : memref<128x32xf32, #tpu.memory_space<vmem>>) dst(%dma_wait3A_63 : memref<10016x32xf32, #tpu.memory_space<vmem_shared>>)
    %dma_wait3A_64 = arith.constant 0 : i32
    %dma_wait3A_65 = arith.constant 0 : i32
    %dma_wait3A_66 = tpu.memref_slice %arg29[%dma_wait3A_64, %dma_wait3A_65] : memref<10016x32xf32, #tpu.memory_space<vmem_shared>> -> memref<10016x32xf32, #tpu.memory_space<vmem_shared>>
    tpu.wait_indirect_dma semaphore(%arg36 : memref<!tpu.dma_semaphore, #tpu.memory_space<semaphore_mem>>) src(%arg21 : memref<128x32xf32, #tpu.memory_space<vmem>>) dst(%dma_wait3A_66 : memref<10016x32xf32, #tpu.memory_space<vmem_shared>>)
    %dma_wait3A_67 = arith.constant 0 : i32
    %dma_wait3A_68 = arith.constant 0 : i32
    %dma_wait3A_69 = tpu.memref_slice %arg30[%dma_wait3A_67, %dma_wait3A_68] : memref<10016x32xf32, #tpu.memory_space<vmem_shared>> -> memref<10016x32xf32, #tpu.memory_space<vmem_shared>>
    tpu.wait_indirect_dma semaphore(%arg36 : memref<!tpu.dma_semaphore, #tpu.memory_space<semaphore_mem>>) src(%arg22 : memref<128x32xf32, #tpu.memory_space<vmem>>) dst(%dma_wait3A_69 : memref<10016x32xf32, #tpu.memory_space<vmem_shared>>)
    %dma_wait3A_70 = arith.constant 0 : i32
    %dma_wait3A_71 = arith.constant 0 : i32
    %dma_wait3A_72 = tpu.memref_slice %arg31[%dma_wait3A_70, %dma_wait3A_71] : memref<10016x32xf32, #tpu.memory_space<vmem_shared>> -> memref<10016x32xf32, #tpu.memory_space<vmem_shared>>
    tpu.wait_indirect_dma semaphore(%arg36 : memref<!tpu.dma_semaphore, #tpu.memory_space<semaphore_mem>>) src(%arg23 : memref<128x32xf32, #tpu.memory_space<vmem>>) dst(%dma_wait3A_72 : memref<10016x32xf32, #tpu.memory_space<vmem_shared>>)
    %dma_wait3A_73 = arith.constant 0 : i32
    %dma_wait3A_74 = arith.constant 0 : i32
    %dma_wait3A_75 = tpu.memref_slice %arg28[%dma_wait3A_73, %dma_wait3A_74] : memref<10016x32xf32, #tpu.memory_space<vmem_shared>> -> memref<10016x32xf32, #tpu.memory_space<vmem_shared>>
    tpu.wait_indirect_dma semaphore(%arg37 : memref<!tpu.dma_semaphore, #tpu.memory_space<semaphore_mem>>) src(%arg24 : memref<128x32xf32, #tpu.memory_space<vmem>>) dst(%dma_wait3A_75 : memref<10016x32xf32, #tpu.memory_space<vmem_shared>>)
    %dma_wait3A_76 = arith.constant 0 : i32
    %dma_wait3A_77 = arith.constant 0 : i32
    %dma_wait3A_78 = tpu.memref_slice %arg29[%dma_wait3A_76, %dma_wait3A_77] : memref<10016x32xf32, #tpu.memory_space<vmem_shared>> -> memref<10016x32xf32, #tpu.memory_space<vmem_shared>>
    tpu.wait_indirect_dma semaphore(%arg37 : memref<!tpu.dma_semaphore, #tpu.memory_space<semaphore_mem>>) src(%arg25 : memref<128x32xf32, #tpu.memory_space<vmem>>) dst(%dma_wait3A_78 : memref<10016x32xf32, #tpu.memory_space<vmem_shared>>)
    %dma_wait3A_79 = arith.constant 0 : i32
    %dma_wait3A_80 = arith.constant 0 : i32
    %dma_wait3A_81 = tpu.memref_slice %arg30[%dma_wait3A_79, %dma_wait3A_80] : memref<10016x32xf32, #tpu.memory_space<vmem_shared>> -> memref<10016x32xf32, #tpu.memory_space<vmem_shared>>
    tpu.wait_indirect_dma semaphore(%arg37 : memref<!tpu.dma_semaphore, #tpu.memory_space<semaphore_mem>>) src(%arg26 : memref<128x32xf32, #tpu.memory_space<vmem>>) dst(%dma_wait3A_81 : memref<10016x32xf32, #tpu.memory_space<vmem_shared>>)
    %dma_wait3A_82 = arith.constant 0 : i32
    %dma_wait3A_83 = arith.constant 0 : i32
    %dma_wait3A_84 = tpu.memref_slice %arg31[%dma_wait3A_82, %dma_wait3A_83] : memref<10016x32xf32, #tpu.memory_space<vmem_shared>> -> memref<10016x32xf32, #tpu.memory_space<vmem_shared>>
    tpu.wait_indirect_dma semaphore(%arg37 : memref<!tpu.dma_semaphore, #tpu.memory_space<semaphore_mem>>) src(%arg27 : memref<128x32xf32, #tpu.memory_space<vmem>>) dst(%dma_wait3A_84 : memref<10016x32xf32, #tpu.memory_space<vmem_shared>>)
    %lt3A_85 = arith.constant 4 : i32
    %lt3A_86 = arith.cmpi slt, %add3A, %lt3A_85 : i32
    %convert_element_type3A_87 = arith.extui %lt3A_86 : i1 to i32
    %cond3A_88 = arith.constant 0 : i32
    %cond3A_89 = arith.cmpi ne, %convert_element_type3A_87, %cond3A_88 : i32
    scf.if %cond3A_89 {
      %add3A_100 = arith.constant 2496 : i32
      %add3A_101 = arith.addi %add3A_100, %add3A : i32
      %mul3A_102 = arith.constant 128 : i32
      %mul3A_103 = arith.muli %add3A_101, %mul3A_102 : i32
      "tpu.region"() ({
        %run_scoped3A = tpu.sem_alloc : memref<!tpu.dma_semaphore, #tpu.memory_space<semaphore_mem>>
        %dma_start3A_152 = tpu.memref_slice %arg6[%mul3A_103] : memref<320000xi32, #tpu.memory_space<hbm>> -> memref<128xi32, #tpu.memory_space<hbm>>
        %dma_start3A_153 = tpu.memref_slice %arg6[%mul3A_103] : memref<320000xi32, #tpu.memory_space<hbm>> -> memref<128xi32, #tpu.memory_space<hbm>>
        tpu.enqueue_dma source(%dma_start3A_153 : memref<128xi32, #tpu.memory_space<hbm>>) target(%arg10 : memref<128xi32, #tpu.memory_space<vmem>>) target_semaphore(%run_scoped3A : memref<!tpu.dma_semaphore, #tpu.memory_space<semaphore_mem>>)
        %dma_wait3A_154 = tpu.memref_slice %arg6[%mul3A_103] : memref<320000xi32, #tpu.memory_space<hbm>> -> memref<128xi32, #tpu.memory_space<hbm>>
        %dma_wait3A_155 = tpu.memref_slice %arg6[%mul3A_103] : memref<320000xi32, #tpu.memory_space<hbm>> -> memref<128xi32, #tpu.memory_space<hbm>>
        tpu.wait_dma2 semaphore(%run_scoped3A : memref<!tpu.dma_semaphore, #tpu.memory_space<semaphore_mem>>) src(%dma_wait3A_155 : memref<128xi32, #tpu.memory_space<hbm>>) dst(%arg10 : memref<128xi32, #tpu.memory_space<vmem>>)
        tpu.yield
      }) : () -> ()
      %dma_start3A_104 = arith.constant 0 : i32
      %dma_start3A_105 = arith.constant 0 : i32
      %dma_start3A_106 = tpu.memref_slice %arg2[%dma_start3A_104, %dma_start3A_105] : memref<10000x32xf32, #tpu.memory_space<hbm>> -> memref<10000x32xf32, #tpu.memory_space<hbm>>
      tpu.enqueue_indirect_dma source(%dma_start3A_106 : memref<10000x32xf32, #tpu.memory_space<hbm>>) target(%arg16 : memref<128x32xf32, #tpu.memory_space<vmem>>) offsets(%arg10 : memref<128xi32, #tpu.memory_space<vmem>>) semaphore(%arg32 : memref<!tpu.dma_semaphore, #tpu.memory_space<semaphore_mem>>)
      %dma_start3A_107 = arith.constant 0 : i32
      %dma_start3A_108 = arith.constant 0 : i32
      %dma_start3A_109 = tpu.memref_slice %arg3[%dma_start3A_107, %dma_start3A_108] : memref<10000x32xf32, #tpu.memory_space<hbm>> -> memref<10000x32xf32, #tpu.memory_space<hbm>>
      tpu.enqueue_indirect_dma source(%dma_start3A_109 : memref<10000x32xf32, #tpu.memory_space<hbm>>) target(%arg17 : memref<128x32xf32, #tpu.memory_space<vmem>>) offsets(%arg10 : memref<128xi32, #tpu.memory_space<vmem>>) semaphore(%arg32 : memref<!tpu.dma_semaphore, #tpu.memory_space<semaphore_mem>>)
      %dma_start3A_110 = arith.constant 0 : i32
      %dma_start3A_111 = arith.constant 0 : i32
      %dma_start3A_112 = tpu.memref_slice %arg4[%dma_start3A_110, %dma_start3A_111] : memref<10000x32xf32, #tpu.memory_space<hbm>> -> memref<10000x32xf32, #tpu.memory_space<hbm>>
      tpu.enqueue_indirect_dma source(%dma_start3A_112 : memref<10000x32xf32, #tpu.memory_space<hbm>>) target(%arg18 : memref<128x32xf32, #tpu.memory_space<vmem>>) offsets(%arg10 : memref<128xi32, #tpu.memory_space<vmem>>) semaphore(%arg32 : memref<!tpu.dma_semaphore, #tpu.memory_space<semaphore_mem>>)
      %dma_start3A_113 = arith.constant 0 : i32
      %dma_start3A_114 = arith.constant 0 : i32
      %dma_start3A_115 = tpu.memref_slice %arg5[%dma_start3A_113, %dma_start3A_114] : memref<10000x32xf32, #tpu.memory_space<hbm>> -> memref<10000x32xf32, #tpu.memory_space<hbm>>
      tpu.enqueue_indirect_dma source(%dma_start3A_115 : memref<10000x32xf32, #tpu.memory_space<hbm>>) target(%arg19 : memref<128x32xf32, #tpu.memory_space<vmem>>) offsets(%arg10 : memref<128xi32, #tpu.memory_space<vmem>>) semaphore(%arg32 : memref<!tpu.dma_semaphore, #tpu.memory_space<semaphore_mem>>)
      %dma_wait3A_116 = arith.constant 0 : i32
      %dma_wait3A_117 = arith.constant 0 : i32
      %dma_wait3A_118 = tpu.memref_slice %arg2[%dma_wait3A_116, %dma_wait3A_117] : memref<10000x32xf32, #tpu.memory_space<hbm>> -> memref<10000x32xf32, #tpu.memory_space<hbm>>
      tpu.wait_indirect_dma semaphore(%arg32 : memref<!tpu.dma_semaphore, #tpu.memory_space<semaphore_mem>>) src(%dma_wait3A_118 : memref<10000x32xf32, #tpu.memory_space<hbm>>) dst(%arg16 : memref<128x32xf32, #tpu.memory_space<vmem>>)
      %dma_wait3A_119 = arith.constant 0 : i32
      %dma_wait3A_120 = arith.constant 0 : i32
      %dma_wait3A_121 = tpu.memref_slice %arg3[%dma_wait3A_119, %dma_wait3A_120] : memref<10000x32xf32, #tpu.memory_space<hbm>> -> memref<10000x32xf32, #tpu.memory_space<hbm>>
      tpu.wait_indirect_dma semaphore(%arg32 : memref<!tpu.dma_semaphore, #tpu.memory_space<semaphore_mem>>) src(%dma_wait3A_121 : memref<10000x32xf32, #tpu.memory_space<hbm>>) dst(%arg17 : memref<128x32xf32, #tpu.memory_space<vmem>>)
      %dma_wait3A_122 = arith.constant 0 : i32
      %dma_wait3A_123 = arith.constant 0 : i32
      %dma_wait3A_124 = tpu.memref_slice %arg4[%dma_wait3A_122, %dma_wait3A_123] : memref<10000x32xf32, #tpu.memory_space<hbm>> -> memref<10000x32xf32, #tpu.memory_space<hbm>>
      tpu.wait_indirect_dma semaphore(%arg32 : memref<!tpu.dma_semaphore, #tpu.memory_space<semaphore_mem>>) src(%dma_wait3A_124 : memref<10000x32xf32, #tpu.memory_space<hbm>>) dst(%arg18 : memref<128x32xf32, #tpu.memory_space<vmem>>)
      %dma_wait3A_125 = arith.constant 0 : i32
      %dma_wait3A_126 = arith.constant 0 : i32
      %dma_wait3A_127 = tpu.memref_slice %arg5[%dma_wait3A_125, %dma_wait3A_126] : memref<10000x32xf32, #tpu.memory_space<hbm>> -> memref<10000x32xf32, #tpu.memory_space<hbm>>
      tpu.wait_indirect_dma semaphore(%arg32 : memref<!tpu.dma_semaphore, #tpu.memory_space<semaphore_mem>>) src(%dma_wait3A_127 : memref<10000x32xf32, #tpu.memory_space<hbm>>) dst(%arg19 : memref<128x32xf32, #tpu.memory_space<vmem>>)
      "tpu.region"() ({
        %run_scoped3A = tpu.sem_alloc : memref<!tpu.dma_semaphore, #tpu.memory_space<semaphore_mem>>
        %dma_start3A_152 = tpu.memref_slice %arg7[%mul3A_103] : memref<320000xi32, #tpu.memory_space<hbm>> -> memref<128xi32, #tpu.memory_space<hbm>>
        %dma_start3A_153 = tpu.memref_slice %arg7[%mul3A_103] : memref<320000xi32, #tpu.memory_space<hbm>> -> memref<128xi32, #tpu.memory_space<hbm>>
        tpu.enqueue_dma source(%dma_start3A_153 : memref<128xi32, #tpu.memory_space<hbm>>) target(%arg13 : memref<128xi32, #tpu.memory_space<vmem>>) target_semaphore(%run_scoped3A : memref<!tpu.dma_semaphore, #tpu.memory_space<semaphore_mem>>)
        %dma_wait3A_154 = tpu.memref_slice %arg7[%mul3A_103] : memref<320000xi32, #tpu.memory_space<hbm>> -> memref<128xi32, #tpu.memory_space<hbm>>
        %dma_wait3A_155 = tpu.memref_slice %arg7[%mul3A_103] : memref<320000xi32, #tpu.memory_space<hbm>> -> memref<128xi32, #tpu.memory_space<hbm>>
        tpu.wait_dma2 semaphore(%run_scoped3A : memref<!tpu.dma_semaphore, #tpu.memory_space<semaphore_mem>>) src(%dma_wait3A_155 : memref<128xi32, #tpu.memory_space<hbm>>) dst(%arg13 : memref<128xi32, #tpu.memory_space<vmem>>)
        tpu.yield
      }) : () -> ()
      %dma_start3A_128 = arith.constant 0 : i32
      %dma_start3A_129 = arith.constant 0 : i32
      %dma_start3A_130 = tpu.memref_slice %arg28[%dma_start3A_128, %dma_start3A_129] : memref<10016x32xf32, #tpu.memory_space<vmem_shared>> -> memref<10016x32xf32, #tpu.memory_space<vmem_shared>>
      tpu.enqueue_indirect_dma source(%arg16 : memref<128x32xf32, #tpu.memory_space<vmem>>) target(%dma_start3A_130 : memref<10016x32xf32, #tpu.memory_space<vmem_shared>>) offsets(%arg13 : memref<128xi32, #tpu.memory_space<vmem>>) semaphore(%arg35 : memref<!tpu.dma_semaphore, #tpu.memory_space<semaphore_mem>>) {add = true}
      %dma_start3A_131 = arith.constant 0 : i32
      %dma_start3A_132 = arith.constant 0 : i32
      %dma_start3A_133 = tpu.memref_slice %arg29[%dma_start3A_131, %dma_start3A_132] : memref<10016x32xf32, #tpu.memory_space<vmem_shared>> -> memref<10016x32xf32, #tpu.memory_space<vmem_shared>>
      tpu.enqueue_indirect_dma source(%arg17 : memref<128x32xf32, #tpu.memory_space<vmem>>) target(%dma_start3A_133 : memref<10016x32xf32, #tpu.memory_space<vmem_shared>>) offsets(%arg13 : memref<128xi32, #tpu.memory_space<vmem>>) semaphore(%arg35 : memref<!tpu.dma_semaphore, #tpu.memory_space<semaphore_mem>>) {add = true}
      %dma_start3A_134 = arith.constant 0 : i32
      %dma_start3A_135 = arith.constant 0 : i32
      %dma_start3A_136 = tpu.memref_slice %arg30[%dma_start3A_134, %dma_start3A_135] : memref<10016x32xf32, #tpu.memory_space<vmem_shared>> -> memref<10016x32xf32, #tpu.memory_space<vmem_shared>>
      tpu.enqueue_indirect_dma source(%arg18 : memref<128x32xf32, #tpu.memory_space<vmem>>) target(%dma_start3A_136 : memref<10016x32xf32, #tpu.memory_space<vmem_shared>>) offsets(%arg13 : memref<128xi32, #tpu.memory_space<vmem>>) semaphore(%arg35 : memref<!tpu.dma_semaphore, #tpu.memory_space<semaphore_mem>>) {add = true}
      %dma_start3A_137 = arith.constant 0 : i32
      %dma_start3A_138 = arith.constant 0 : i32
      %dma_start3A_139 = tpu.memref_slice %arg31[%dma_start3A_137, %dma_start3A_138] : memref<10016x32xf32, #tpu.memory_space<vmem_shared>> -> memref<10016x32xf32, #tpu.memory_space<vmem_shared>>
      tpu.enqueue_indirect_dma source(%arg19 : memref<128x32xf32, #tpu.memory_space<vmem>>) target(%dma_start3A_139 : memref<10016x32xf32, #tpu.memory_space<vmem_shared>>) offsets(%arg13 : memref<128xi32, #tpu.memory_space<vmem>>) semaphore(%arg35 : memref<!tpu.dma_semaphore, #tpu.memory_space<semaphore_mem>>) {add = true}
      %dma_wait3A_140 = arith.constant 0 : i32
      %dma_wait3A_141 = arith.constant 0 : i32
      %dma_wait3A_142 = tpu.memref_slice %arg28[%dma_wait3A_140, %dma_wait3A_141] : memref<10016x32xf32, #tpu.memory_space<vmem_shared>> -> memref<10016x32xf32, #tpu.memory_space<vmem_shared>>
      tpu.wait_indirect_dma semaphore(%arg35 : memref<!tpu.dma_semaphore, #tpu.memory_space<semaphore_mem>>) src(%arg16 : memref<128x32xf32, #tpu.memory_space<vmem>>) dst(%dma_wait3A_142 : memref<10016x32xf32, #tpu.memory_space<vmem_shared>>)
      %dma_wait3A_143 = arith.constant 0 : i32
      %dma_wait3A_144 = arith.constant 0 : i32
      %dma_wait3A_145 = tpu.memref_slice %arg29[%dma_wait3A_143, %dma_wait3A_144] : memref<10016x32xf32, #tpu.memory_space<vmem_shared>> -> memref<10016x32xf32, #tpu.memory_space<vmem_shared>>
      tpu.wait_indirect_dma semaphore(%arg35 : memref<!tpu.dma_semaphore, #tpu.memory_space<semaphore_mem>>) src(%arg17 : memref<128x32xf32, #tpu.memory_space<vmem>>) dst(%dma_wait3A_145 : memref<10016x32xf32, #tpu.memory_space<vmem_shared>>)
      %dma_wait3A_146 = arith.constant 0 : i32
      %dma_wait3A_147 = arith.constant 0 : i32
      %dma_wait3A_148 = tpu.memref_slice %arg30[%dma_wait3A_146, %dma_wait3A_147] : memref<10016x32xf32, #tpu.memory_space<vmem_shared>> -> memref<10016x32xf32, #tpu.memory_space<vmem_shared>>
      tpu.wait_indirect_dma semaphore(%arg35 : memref<!tpu.dma_semaphore, #tpu.memory_space<semaphore_mem>>) src(%arg18 : memref<128x32xf32, #tpu.memory_space<vmem>>) dst(%dma_wait3A_148 : memref<10016x32xf32, #tpu.memory_space<vmem_shared>>)
      %dma_wait3A_149 = arith.constant 0 : i32
      %dma_wait3A_150 = arith.constant 0 : i32
      %dma_wait3A_151 = tpu.memref_slice %arg31[%dma_wait3A_149, %dma_wait3A_150] : memref<10016x32xf32, #tpu.memory_space<vmem_shared>> -> memref<10016x32xf32, #tpu.memory_space<vmem_shared>>
      tpu.wait_indirect_dma semaphore(%arg35 : memref<!tpu.dma_semaphore, #tpu.memory_space<semaphore_mem>>) src(%arg19 : memref<128x32xf32, #tpu.memory_space<vmem>>) dst(%dma_wait3A_151 : memref<10016x32xf32, #tpu.memory_space<vmem_shared>>)
    } else {
    }
    %barrier3A_90 = arith.constant 0 : index
    tpu.barrier barrier_id(%barrier3A_90)
    %lt3A_91 = arith.constant 15 : i32
    %lt3A_92 = arith.cmpi slt, %arg1, %lt3A_91 : i32
    %convert_element_type3A_93 = arith.extui %lt3A_92 : i1 to i32
    %cond3A_94 = arith.constant 0 : i32
    %cond3A_95 = arith.cmpi ne, %convert_element_type3A_93, %cond3A_94 : i32
    scf.if %cond3A_95 {
      %mul3A_100 = arith.constant 632 : i32
      %mul3A_101 = arith.muli %arg1, %mul3A_100 : i32
      %mul3A_102 = arith.constant 632 : i32
      %mul3A_103 = arith.muli %arg1, %mul3A_102 : i32
      "tpu.region"() ({
        %run_scoped3A = tpu.sem_alloc : memref<!tpu.dma_semaphore, #tpu.memory_space<semaphore_mem>>
        %dma_start3A_116 = arith.constant 0 : i32
        %dma_start3A_117 = tpu.memref_slice %arg9[%arg0, %mul3A_103, %dma_start3A_116] : memref<2x10000x128xf32, #tpu.memory_space<hbm>> -> memref<1x632x32xf32, #tpu.memory_space<hbm>>
        %dma_start3A_118 = tpu.memref_squeeze %dma_start3A_117 : memref<1x632x32xf32, #tpu.memory_space<hbm>> -> memref<632x32xf32, #tpu.memory_space<hbm>>
        %dma_start3A_119 = arith.constant 0 : i32
        %dma_start3A_120 = tpu.memref_slice %arg28[%mul3A_101, %dma_start3A_119] : memref<10016x32xf32, #tpu.memory_space<vmem_shared>> -> memref<632x32xf32, #tpu.memory_space<vmem_shared>>
        tpu.enqueue_dma source(%dma_start3A_120 : memref<632x32xf32, #tpu.memory_space<vmem_shared>>) target(%dma_start3A_118 : memref<632x32xf32, #tpu.memory_space<hbm>>) target_semaphore(%run_scoped3A : memref<!tpu.dma_semaphore, #tpu.memory_space<semaphore_mem>>)
        %dma_wait3A_121 = arith.constant 0 : i32
        %dma_wait3A_122 = tpu.memref_slice %arg9[%arg0, %mul3A_103, %dma_wait3A_121] : memref<2x10000x128xf32, #tpu.memory_space<hbm>> -> memref<1x632x32xf32, #tpu.memory_space<hbm>>
        %dma_wait3A_123 = tpu.memref_squeeze %dma_wait3A_122 : memref<1x632x32xf32, #tpu.memory_space<hbm>> -> memref<632x32xf32, #tpu.memory_space<hbm>>
        %dma_wait3A_124 = arith.constant 0 : i32
        %dma_wait3A_125 = tpu.memref_slice %arg28[%mul3A_101, %dma_wait3A_124] : memref<10016x32xf32, #tpu.memory_space<vmem_shared>> -> memref<632x32xf32, #tpu.memory_space<vmem_shared>>
        tpu.wait_dma2 semaphore(%run_scoped3A : memref<!tpu.dma_semaphore, #tpu.memory_space<semaphore_mem>>) src(%dma_wait3A_125 : memref<632x32xf32, #tpu.memory_space<vmem_shared>>) dst(%dma_wait3A_123 : memref<632x32xf32, #tpu.memory_space<hbm>>)
        tpu.yield
      }) : () -> ()
      %mul3A_104 = arith.constant 632 : i32
      %mul3A_105 = arith.muli %arg1, %mul3A_104 : i32
      %mul3A_106 = arith.constant 632 : i32
      %mul3A_107 = arith.muli %arg1, %mul3A_106 : i32
      "tpu.region"() ({
        %run_scoped3A = tpu.sem_alloc : memref<!tpu.dma_semaphore, #tpu.memory_space<semaphore_mem>>
        %dma_start3A_116 = arith.constant 32 : i32
        %dma_start3A_117 = tpu.memref_slice %arg9[%arg0, %mul3A_107, %dma_start3A_116] : memref<2x10000x128xf32, #tpu.memory_space<hbm>> -> memref<1x632x32xf32, #tpu.memory_space<hbm>>
        %dma_start3A_118 = tpu.memref_squeeze %dma_start3A_117 : memref<1x632x32xf32, #tpu.memory_space<hbm>> -> memref<632x32xf32, #tpu.memory_space<hbm>>
        %dma_start3A_119 = arith.constant 0 : i32
        %dma_start3A_120 = tpu.memref_slice %arg29[%mul3A_105, %dma_start3A_119] : memref<10016x32xf32, #tpu.memory_space<vmem_shared>> -> memref<632x32xf32, #tpu.memory_space<vmem_shared>>
        tpu.enqueue_dma source(%dma_start3A_120 : memref<632x32xf32, #tpu.memory_space<vmem_shared>>) target(%dma_start3A_118 : memref<632x32xf32, #tpu.memory_space<hbm>>) target_semaphore(%run_scoped3A : memref<!tpu.dma_semaphore, #tpu.memory_space<semaphore_mem>>)
        %dma_wait3A_121 = arith.constant 32 : i32
        %dma_wait3A_122 = tpu.memref_slice %arg9[%arg0, %mul3A_107, %dma_wait3A_121] : memref<2x10000x128xf32, #tpu.memory_space<hbm>> -> memref<1x632x32xf32, #tpu.memory_space<hbm>>
        %dma_wait3A_123 = tpu.memref_squeeze %dma_wait3A_122 : memref<1x632x32xf32, #tpu.memory_space<hbm>> -> memref<632x32xf32, #tpu.memory_space<hbm>>
        %dma_wait3A_124 = arith.constant 0 : i32
        %dma_wait3A_125 = tpu.memref_slice %arg29[%mul3A_105, %dma_wait3A_124] : memref<10016x32xf32, #tpu.memory_space<vmem_shared>> -> memref<632x32xf32, #tpu.memory_space<vmem_shared>>
        tpu.wait_dma2 semaphore(%run_scoped3A : memref<!tpu.dma_semaphore, #tpu.memory_space<semaphore_mem>>) src(%dma_wait3A_125 : memref<632x32xf32, #tpu.memory_space<vmem_shared>>) dst(%dma_wait3A_123 : memref<632x32xf32, #tpu.memory_space<hbm>>)
        tpu.yield
      }) : () -> ()
      %mul3A_108 = arith.constant 632 : i32
      %mul3A_109 = arith.muli %arg1, %mul3A_108 : i32
      %mul3A_110 = arith.constant 632 : i32
      %mul3A_111 = arith.muli %arg1, %mul3A_110 : i32
      "tpu.region"() ({
        %run_scoped3A = tpu.sem_alloc : memref<!tpu.dma_semaphore, #tpu.memory_space<semaphore_mem>>
        %dma_start3A_116 = arith.constant 64 : i32
        %dma_start3A_117 = tpu.memref_slice %arg9[%arg0, %mul3A_111, %dma_start3A_116] : memref<2x10000x128xf32, #tpu.memory_space<hbm>> -> memref<1x632x32xf32, #tpu.memory_space<hbm>>
        %dma_start3A_118 = tpu.memref_squeeze %dma_start3A_117 : memref<1x632x32xf32, #tpu.memory_space<hbm>> -> memref<632x32xf32, #tpu.memory_space<hbm>>
        %dma_start3A_119 = arith.constant 0 : i32
        %dma_start3A_120 = tpu.memref_slice %arg30[%mul3A_109, %dma_start3A_119] : memref<10016x32xf32, #tpu.memory_space<vmem_shared>> -> memref<632x32xf32, #tpu.memory_space<vmem_shared>>
        tpu.enqueue_dma source(%dma_start3A_120 : memref<632x32xf32, #tpu.memory_space<vmem_shared>>) target(%dma_start3A_118 : memref<632x32xf32, #tpu.memory_space<hbm>>) target_semaphore(%run_scoped3A : memref<!tpu.dma_semaphore, #tpu.memory_space<semaphore_mem>>)
        %dma_wait3A_121 = arith.constant 64 : i32
        %dma_wait3A_122 = tpu.memref_slice %arg9[%arg0, %mul3A_111, %dma_wait3A_121] : memref<2x10000x128xf32, #tpu.memory_space<hbm>> -> memref<1x632x32xf32, #tpu.memory_space<hbm>>
        %dma_wait3A_123 = tpu.memref_squeeze %dma_wait3A_122 : memref<1x632x32xf32, #tpu.memory_space<hbm>> -> memref<632x32xf32, #tpu.memory_space<hbm>>
        %dma_wait3A_124 = arith.constant 0 : i32
        %dma_wait3A_125 = tpu.memref_slice %arg30[%mul3A_109, %dma_wait3A_124] : memref<10016x32xf32, #tpu.memory_space<vmem_shared>> -> memref<632x32xf32, #tpu.memory_space<vmem_shared>>
        tpu.wait_dma2 semaphore(%run_scoped3A : memref<!tpu.dma_semaphore, #tpu.memory_space<semaphore_mem>>) src(%dma_wait3A_125 : memref<632x32xf32, #tpu.memory_space<vmem_shared>>) dst(%dma_wait3A_123 : memref<632x32xf32, #tpu.memory_space<hbm>>)
        tpu.yield
      }) : () -> ()
      %mul3A_112 = arith.constant 632 : i32
      %mul3A_113 = arith.muli %arg1, %mul3A_112 : i32
      %mul3A_114 = arith.constant 632 : i32
      %mul3A_115 = arith.muli %arg1, %mul3A_114 : i32
      "tpu.region"() ({
        %run_scoped3A = tpu.sem_alloc : memref<!tpu.dma_semaphore, #tpu.memory_space<semaphore_mem>>
        %dma_start3A_116 = arith.constant 96 : i32
        %dma_start3A_117 = tpu.memref_slice %arg9[%arg0, %mul3A_115, %dma_start3A_116] : memref<2x10000x128xf32, #tpu.memory_space<hbm>> -> memref<1x632x32xf32, #tpu.memory_space<hbm>>
        %dma_start3A_118 = tpu.memref_squeeze %dma_start3A_117 : memref<1x632x32xf32, #tpu.memory_space<hbm>> -> memref<632x32xf32, #tpu.memory_space<hbm>>
        %dma_start3A_119 = arith.constant 0 : i32
        %dma_start3A_120 = tpu.memref_slice %arg31[%mul3A_113, %dma_start3A_119] : memref<10016x32xf32, #tpu.memory_space<vmem_shared>> -> memref<632x32xf32, #tpu.memory_space<vmem_shared>>
        tpu.enqueue_dma source(%dma_start3A_120 : memref<632x32xf32, #tpu.memory_space<vmem_shared>>) target(%dma_start3A_118 : memref<632x32xf32, #tpu.memory_space<hbm>>) target_semaphore(%run_scoped3A : memref<!tpu.dma_semaphore, #tpu.memory_space<semaphore_mem>>)
        %dma_wait3A_121 = arith.constant 96 : i32
        %dma_wait3A_122 = tpu.memref_slice %arg9[%arg0, %mul3A_115, %dma_wait3A_121] : memref<2x10000x128xf32, #tpu.memory_space<hbm>> -> memref<1x632x32xf32, #tpu.memory_space<hbm>>
        %dma_wait3A_123 = tpu.memref_squeeze %dma_wait3A_122 : memref<1x632x32xf32, #tpu.memory_space<hbm>> -> memref<632x32xf32, #tpu.memory_space<hbm>>
        %dma_wait3A_124 = arith.constant 0 : i32
        %dma_wait3A_125 = tpu.memref_slice %arg31[%mul3A_113, %dma_wait3A_124] : memref<10016x32xf32, #tpu.memory_space<vmem_shared>> -> memref<632x32xf32, #tpu.memory_space<vmem_shared>>
        tpu.wait_dma2 semaphore(%run_scoped3A : memref<!tpu.dma_semaphore, #tpu.memory_space<semaphore_mem>>) src(%dma_wait3A_125 : memref<632x32xf32, #tpu.memory_space<vmem_shared>>) dst(%dma_wait3A_123 : memref<632x32xf32, #tpu.memory_space<hbm>>)
        tpu.yield
      }) : () -> ()
    } else {
    }
    %eq3A = arith.constant 15 : i32
    %eq3A_96 = arith.cmpi eq, %arg1, %eq3A : i32
    %convert_element_type3A_97 = arith.extui %eq3A_96 : i1 to i32
    %cond3A_98 = arith.constant 0 : i32
    %cond3A_99 = arith.cmpi ne, %convert_element_type3A_97, %cond3A_98 : i32
    scf.if %cond3A_99 {
      "tpu.region"() ({
        %run_scoped3A = tpu.sem_alloc : memref<!tpu.dma_semaphore, #tpu.memory_space<semaphore_mem>>
        %dma_start3A_100 = arith.constant 9480 : i32
        %dma_start3A_101 = arith.constant 0 : i32
        %dma_start3A_102 = tpu.memref_slice %arg9[%arg0, %dma_start3A_100, %dma_start3A_101] : memref<2x10000x128xf32, #tpu.memory_space<hbm>> -> memref<1x520x32xf32, #tpu.memory_space<hbm>>
        %dma_start3A_103 = tpu.memref_squeeze %dma_start3A_102 : memref<1x520x32xf32, #tpu.memory_space<hbm>> -> memref<520x32xf32, #tpu.memory_space<hbm>>
        %dma_start3A_104 = arith.constant 9480 : i32
        %dma_start3A_105 = arith.constant 0 : i32
        %dma_start3A_106 = tpu.memref_slice %arg28[%dma_start3A_104, %dma_start3A_105] : memref<10016x32xf32, #tpu.memory_space<vmem_shared>> -> memref<520x32xf32, #tpu.memory_space<vmem_shared>>
        tpu.enqueue_dma source(%dma_start3A_106 : memref<520x32xf32, #tpu.memory_space<vmem_shared>>) target(%dma_start3A_103 : memref<520x32xf32, #tpu.memory_space<hbm>>) target_semaphore(%run_scoped3A : memref<!tpu.dma_semaphore, #tpu.memory_space<semaphore_mem>>)
        %dma_wait3A_107 = arith.constant 9480 : i32
        %dma_wait3A_108 = arith.constant 0 : i32
        %dma_wait3A_109 = tpu.memref_slice %arg9[%arg0, %dma_wait3A_107, %dma_wait3A_108] : memref<2x10000x128xf32, #tpu.memory_space<hbm>> -> memref<1x520x32xf32, #tpu.memory_space<hbm>>
        %dma_wait3A_110 = tpu.memref_squeeze %dma_wait3A_109 : memref<1x520x32xf32, #tpu.memory_space<hbm>> -> memref<520x32xf32, #tpu.memory_space<hbm>>
        %dma_wait3A_111 = arith.constant 9480 : i32
        %dma_wait3A_112 = arith.constant 0 : i32
        %dma_wait3A_113 = tpu.memref_slice %arg28[%dma_wait3A_111, %dma_wait3A_112] : memref<10016x32xf32, #tpu.memory_space<vmem_shared>> -> memref<520x32xf32, #tpu.memory_space<vmem_shared>>
        tpu.wait_dma2 semaphore(%run_scoped3A : memref<!tpu.dma_semaphore, #tpu.memory_space<semaphore_mem>>) src(%dma_wait3A_113 : memref<520x32xf32, #tpu.memory_space<vmem_shared>>) dst(%dma_wait3A_110 : memref<520x32xf32, #tpu.memory_space<hbm>>)
        tpu.yield
      }) : () -> ()
      "tpu.region"() ({
        %run_scoped3A = tpu.sem_alloc : memref<!tpu.dma_semaphore, #tpu.memory_space<semaphore_mem>>
        %dma_start3A_100 = arith.constant 9480 : i32
        %dma_start3A_101 = arith.constant 32 : i32
        %dma_start3A_102 = tpu.memref_slice %arg9[%arg0, %dma_start3A_100, %dma_start3A_101] : memref<2x10000x128xf32, #tpu.memory_space<hbm>> -> memref<1x520x32xf32, #tpu.memory_space<hbm>>
        %dma_start3A_103 = tpu.memref_squeeze %dma_start3A_102 : memref<1x520x32xf32, #tpu.memory_space<hbm>> -> memref<520x32xf32, #tpu.memory_space<hbm>>
        %dma_start3A_104 = arith.constant 9480 : i32
        %dma_start3A_105 = arith.constant 0 : i32
        %dma_start3A_106 = tpu.memref_slice %arg29[%dma_start3A_104, %dma_start3A_105] : memref<10016x32xf32, #tpu.memory_space<vmem_shared>> -> memref<520x32xf32, #tpu.memory_space<vmem_shared>>
        tpu.enqueue_dma source(%dma_start3A_106 : memref<520x32xf32, #tpu.memory_space<vmem_shared>>) target(%dma_start3A_103 : memref<520x32xf32, #tpu.memory_space<hbm>>) target_semaphore(%run_scoped3A : memref<!tpu.dma_semaphore, #tpu.memory_space<semaphore_mem>>)
        %dma_wait3A_107 = arith.constant 9480 : i32
        %dma_wait3A_108 = arith.constant 32 : i32
        %dma_wait3A_109 = tpu.memref_slice %arg9[%arg0, %dma_wait3A_107, %dma_wait3A_108] : memref<2x10000x128xf32, #tpu.memory_space<hbm>> -> memref<1x520x32xf32, #tpu.memory_space<hbm>>
        %dma_wait3A_110 = tpu.memref_squeeze %dma_wait3A_109 : memref<1x520x32xf32, #tpu.memory_space<hbm>> -> memref<520x32xf32, #tpu.memory_space<hbm>>
        %dma_wait3A_111 = arith.constant 9480 : i32
        %dma_wait3A_112 = arith.constant 0 : i32
        %dma_wait3A_113 = tpu.memref_slice %arg29[%dma_wait3A_111, %dma_wait3A_112] : memref<10016x32xf32, #tpu.memory_space<vmem_shared>> -> memref<520x32xf32, #tpu.memory_space<vmem_shared>>
        tpu.wait_dma2 semaphore(%run_scoped3A : memref<!tpu.dma_semaphore, #tpu.memory_space<semaphore_mem>>) src(%dma_wait3A_113 : memref<520x32xf32, #tpu.memory_space<vmem_shared>>) dst(%dma_wait3A_110 : memref<520x32xf32, #tpu.memory_space<hbm>>)
        tpu.yield
      }) : () -> ()
      "tpu.region"() ({
        %run_scoped3A = tpu.sem_alloc : memref<!tpu.dma_semaphore, #tpu.memory_space<semaphore_mem>>
        %dma_start3A_100 = arith.constant 9480 : i32
        %dma_start3A_101 = arith.constant 64 : i32
        %dma_start3A_102 = tpu.memref_slice %arg9[%arg0, %dma_start3A_100, %dma_start3A_101] : memref<2x10000x128xf32, #tpu.memory_space<hbm>> -> memref<1x520x32xf32, #tpu.memory_space<hbm>>
        %dma_start3A_103 = tpu.memref_squeeze %dma_start3A_102 : memref<1x520x32xf32, #tpu.memory_space<hbm>> -> memref<520x32xf32, #tpu.memory_space<hbm>>
        %dma_start3A_104 = arith.constant 9480 : i32
        %dma_start3A_105 = arith.constant 0 : i32
        %dma_start3A_106 = tpu.memref_slice %arg30[%dma_start3A_104, %dma_start3A_105] : memref<10016x32xf32, #tpu.memory_space<vmem_shared>> -> memref<520x32xf32, #tpu.memory_space<vmem_shared>>
        tpu.enqueue_dma source(%dma_start3A_106 : memref<520x32xf32, #tpu.memory_space<vmem_shared>>) target(%dma_start3A_103 : memref<520x32xf32, #tpu.memory_space<hbm>>) target_semaphore(%run_scoped3A : memref<!tpu.dma_semaphore, #tpu.memory_space<semaphore_mem>>)
        %dma_wait3A_107 = arith.constant 9480 : i32
        %dma_wait3A_108 = arith.constant 64 : i32
        %dma_wait3A_109 = tpu.memref_slice %arg9[%arg0, %dma_wait3A_107, %dma_wait3A_108] : memref<2x10000x128xf32, #tpu.memory_space<hbm>> -> memref<1x520x32xf32, #tpu.memory_space<hbm>>
        %dma_wait3A_110 = tpu.memref_squeeze %dma_wait3A_109 : memref<1x520x32xf32, #tpu.memory_space<hbm>> -> memref<520x32xf32, #tpu.memory_space<hbm>>
        %dma_wait3A_111 = arith.constant 9480 : i32
        %dma_wait3A_112 = arith.constant 0 : i32
        %dma_wait3A_113 = tpu.memref_slice %arg30[%dma_wait3A_111, %dma_wait3A_112] : memref<10016x32xf32, #tpu.memory_space<vmem_shared>> -> memref<520x32xf32, #tpu.memory_space<vmem_shared>>
        tpu.wait_dma2 semaphore(%run_scoped3A : memref<!tpu.dma_semaphore, #tpu.memory_space<semaphore_mem>>) src(%dma_wait3A_113 : memref<520x32xf32, #tpu.memory_space<vmem_shared>>) dst(%dma_wait3A_110 : memref<520x32xf32, #tpu.memory_space<hbm>>)
        tpu.yield
      }) : () -> ()
      "tpu.region"() ({
        %run_scoped3A = tpu.sem_alloc : memref<!tpu.dma_semaphore, #tpu.memory_space<semaphore_mem>>
        %dma_start3A_100 = arith.constant 9480 : i32
        %dma_start3A_101 = arith.constant 96 : i32
        %dma_start3A_102 = tpu.memref_slice %arg9[%arg0, %dma_start3A_100, %dma_start3A_101] : memref<2x10000x128xf32, #tpu.memory_space<hbm>> -> memref<1x520x32xf32, #tpu.memory_space<hbm>>
        %dma_start3A_103 = tpu.memref_squeeze %dma_start3A_102 : memref<1x520x32xf32, #tpu.memory_space<hbm>> -> memref<520x32xf32, #tpu.memory_space<hbm>>
        %dma_start3A_104 = arith.constant 9480 : i32
        %dma_start3A_105 = arith.constant 0 : i32
        %dma_start3A_106 = tpu.memref_slice %arg31[%dma_start3A_104, %dma_start3A_105] : memref<10016x32xf32, #tpu.memory_space<vmem_shared>> -> memref<520x32xf32, #tpu.memory_space<vmem_shared>>
        tpu.enqueue_dma source(%dma_start3A_106 : memref<520x32xf32, #tpu.memory_space<vmem_shared>>) target(%dma_start3A_103 : memref<520x32xf32, #tpu.memory_space<hbm>>) target_semaphore(%run_scoped3A : memref<!tpu.dma_semaphore, #tpu.memory_space<semaphore_mem>>)
        %dma_wait3A_107 = arith.constant 9480 : i32
        %dma_wait3A_108 = arith.constant 96 : i32
        %dma_wait3A_109 = tpu.memref_slice %arg9[%arg0, %dma_wait3A_107, %dma_wait3A_108] : memref<2x10000x128xf32, #tpu.memory_space<hbm>> -> memref<1x520x32xf32, #tpu.memory_space<hbm>>
        %dma_wait3A_110 = tpu.memref_squeeze %dma_wait3A_109 : memref<1x520x32xf32, #tpu.memory_space<hbm>> -> memref<520x32xf32, #tpu.memory_space<hbm>>
        %dma_wait3A_111 = arith.constant 9480 : i32
        %dma_wait3A_112 = arith.constant 0 : i32
        %dma_wait3A_113 = tpu.memref_slice %arg31[%dma_wait3A_111, %dma_wait3A_112] : memref<10016x32xf32, #tpu.memory_space<vmem_shared>> -> memref<520x32xf32, #tpu.memory_space<vmem_shared>>
        tpu.wait_dma2 semaphore(%run_scoped3A : memref<!tpu.dma_semaphore, #tpu.memory_space<semaphore_mem>>) src(%dma_wait3A_113 : memref<520x32xf32, #tpu.memory_space<vmem_shared>>) dst(%dma_wait3A_110 : memref<520x32xf32, #tpu.memory_space<hbm>>)
        tpu.yield
      }) : () -> ()
    } else {
    }
    return
  }
}

module attributes {stable_mosaic.version = 14 : i64} {
  func.func @_tc_fused_body(%arg0: i32, %arg1: i32, %arg2: memref<1000x128xf32, #tpu.memory_space<vmem>>, %arg3: memref<1000x128xf32, #tpu.memory_space<vmem>>, %arg4: memref<1000x128xf32, #tpu.memory_space<vmem>>, %arg5: memref<128x128xf32, #tpu.memory_space<vmem>>, %arg6: memref<1x128xf32, #tpu.memory_space<vmem>>, %arg7: memref<128x128xf32, #tpu.memory_space<vmem>>, %arg8: memref<1x128xf32, #tpu.memory_space<vmem>>, %arg9: memref<1x128xf32, #tpu.memory_space<vmem>>, %arg10: memref<1x128xf32, #tpu.memory_space<vmem>>, %arg11: memref<1000x128xf32, #tpu.memory_space<vmem>>, %arg12: memref<10000x128xf32, #tpu.memory_space<vmem>>, %arg13: memref<2x128xf32, #tpu.memory_space<vmem>>) attributes {dimension_semantics = [#tpu.dimension_semantics<arbitrary>, #tpu.dimension_semantics<arbitrary>], iteration_bounds = array<i64: 2, 10>, scalar_prefetch = 0 : i64, scratch_operands = 2 : i64, tpu.core_type = #tpu.core_type<tc>, window_params = [{transform_indices = @transform_0, window_bounds = array<i64: 1000, 128>}, {transform_indices = @transform_1, window_bounds = array<i64: 1000, 128>}, {transform_indices = @transform_2, window_bounds = array<i64: 1000, 128>}, {pipeline_mode = #tpu.pipeline_mode<synchronous>, transform_indices = @transform_3, window_bounds = array<i64: 128, 128>}, {pipeline_mode = #tpu.pipeline_mode<synchronous>, transform_indices = @transform_4, window_bounds = array<i64: 1, 128>}, {pipeline_mode = #tpu.pipeline_mode<synchronous>, transform_indices = @transform_5, window_bounds = array<i64: 128, 128>}, {pipeline_mode = #tpu.pipeline_mode<synchronous>, transform_indices = @transform_6, window_bounds = array<i64: 1, 128>}, {pipeline_mode = #tpu.pipeline_mode<synchronous>, transform_indices = @transform_7, window_bounds = array<i64: 1, 128>}, {pipeline_mode = #tpu.pipeline_mode<synchronous>, transform_indices = @transform_8, window_bounds = array<i64: 1, 128>}, {transform_indices = @transform_9, window_bounds = array<i64: 1000, 128>}]} {
    %eq3A = arith.constant 0 : i32
    %eq3A_0 = arith.cmpi eq, %arg0, %eq3A : i32
    %convert_element_type3A = arith.extui %eq3A_0 : i1 to i32
    %cond3A = arith.constant 0 : i32
    %cond3A_1 = arith.cmpi ne, %convert_element_type3A, %cond3A : i32
    scf.if %cond3A_1 {
      %get3A = arith.constant 0 : index
      %get3A_7 = arith.constant 0 : index
      %get3A_8 = vector.load %arg2[%get3A, %get3A_7] : memref<1000x128xf32, #tpu.memory_space<vmem>>, vector<1000x128xf32>
      %get3A_9 = arith.constant 0 : index
      %get3A_10 = arith.constant 0 : index
      %get3A_11 = vector.load %arg3[%get3A_9, %get3A_10] : memref<1000x128xf32, #tpu.memory_space<vmem>>, vector<1000x128xf32>
      %add3A = arith.addf %get3A_8, %get3A_11 : vector<1000x128xf32>
      %get3A_12 = arith.constant 0 : index
      %get3A_13 = arith.constant 0 : index
      %get3A_14 = vector.load %arg5[%get3A_12, %get3A_13] : memref<128x128xf32, #tpu.memory_space<vmem>>, vector<128x128xf32>
      %dot_general3A = arith.constant dense<0.000000e+00> : vector<1000x128xf32>
      %dot_general3A_15 = tpu.matmul %add3A, %get3A_14, %dot_general3A {dimension_numbers = #tpu.dot_dimension_numbers<[1], [0], [0], [1], [0, 0, 1, 1], [], []>, transpose_lhs_hint = false} : vector<1000x128xf32>, vector<128x128xf32>, vector<1000x128xf32> -> vector<1000x128xf32>
      %get3A_16 = arith.constant 0 : index
      %get3A_17 = arith.constant 0 : index
      %get3A_18 = vector.load %arg6[%get3A_16, %get3A_17] : memref<1x128xf32, #tpu.memory_space<vmem>>, vector<1x128xf32>
      %add3A_19 = vector.broadcast %get3A_18 : vector<1x128xf32> to vector<1000x128xf32>
      %add3A_20 = arith.addf %dot_general3A_15, %add3A_19 : vector<1000x128xf32>
      %max3A = arith.constant 0.000000e+00 : f32
      %max3A_21 = vector.broadcast %max3A : f32 to vector<1000x128xf32>
      %max3A_22 = arith.maximumf %add3A_20, %max3A_21 : vector<1000x128xf32>
      %get3A_23 = arith.constant 0 : index
      %get3A_24 = arith.constant 0 : index
      %get3A_25 = vector.load %arg4[%get3A_23, %get3A_24] : memref<1000x128xf32, #tpu.memory_space<vmem>>, vector<1000x128xf32>
      %get3A_26 = arith.constant 0 : index
      %get3A_27 = arith.constant 0 : index
      %get3A_28 = vector.load %arg7[%get3A_26, %get3A_27] : memref<128x128xf32, #tpu.memory_space<vmem>>, vector<128x128xf32>
      %dot_general3A_29 = arith.constant dense<0.000000e+00> : vector<1000x128xf32>
      %dot_general3A_30 = tpu.matmul %get3A_25, %get3A_28, %dot_general3A_29 {dimension_numbers = #tpu.dot_dimension_numbers<[1], [0], [0], [1], [0, 0, 1, 1], [], []>, transpose_lhs_hint = false} : vector<1000x128xf32>, vector<128x128xf32>, vector<1000x128xf32> -> vector<1000x128xf32>
      %get3A_31 = arith.constant 0 : index
      %get3A_32 = arith.constant 0 : index
      %get3A_33 = vector.load %arg8[%get3A_31, %get3A_32] : memref<1x128xf32, #tpu.memory_space<vmem>>, vector<1x128xf32>
      %add3A_34 = vector.broadcast %get3A_33 : vector<1x128xf32> to vector<1000x128xf32>
      %add3A_35 = arith.addf %dot_general3A_30, %add3A_34 : vector<1000x128xf32>
      %max3A_36 = arith.constant 0.000000e+00 : f32
      %max3A_37 = vector.broadcast %max3A_36 : f32 to vector<1000x128xf32>
      %max3A_38 = arith.maximumf %add3A_35, %max3A_37 : vector<1000x128xf32>
      %add3A_39 = arith.addf %max3A_22, %max3A_38 : vector<1000x128xf32>
      %mul3A = arith.constant 1000 : i32
      %mul3A_40 = arith.muli %arg1, %mul3A : i32
      %swap3A = arith.index_cast %mul3A_40 : i32 to index
      %swap3A_41 = arith.constant 0 : index
      %swap3A_42 = vector.load %arg12[%swap3A, %swap3A_41] : memref<10000x128xf32, #tpu.memory_space<vmem>>, vector<1000x128xf32>
      tpu.vector_store %arg12[%swap3A, %swap3A_41], %add3A_39 {strides = array<i32>} : memref<10000x128xf32, #tpu.memory_space<vmem>>, vector<1000x128xf32>,
      %eq3A_43 = arith.constant 0 : i32
      %eq3A_44 = arith.cmpi eq, %arg1, %eq3A_43 : i32
      %convert_element_type3A_45 = arith.extui %eq3A_44 : i1 to i32
      %cond3A_46 = arith.constant 0 : i32
      %cond3A_47 = arith.cmpi ne, %convert_element_type3A_45, %cond3A_46 : i32
      scf.if %cond3A_47 {
        %broadcast_in_dim3A_67 = arith.constant 0.000000e+00 : f32
        %broadcast_in_dim3A_68 = vector.broadcast %broadcast_in_dim3A_67 : f32 to vector<2x128xf32>
        %swap3A_69 = arith.constant 0 : index
        %swap3A_70 = arith.constant 0 : index
        %swap3A_71 = vector.load %arg13[%swap3A_69, %swap3A_70] : memref<2x128xf32, #tpu.memory_space<vmem>>, vector<2x128xf32>
        tpu.vector_store %arg13[%swap3A_69, %swap3A_70], %broadcast_in_dim3A_68 {strides = array<i32>} : memref<2x128xf32, #tpu.memory_space<vmem>>, vector<2x128xf32>,
      } else {
      }
      %get3A_48 = arith.constant 0 : index
      %get3A_49 = arith.constant 0 : index
      %get3A_50 = vector.load %arg13[%get3A_48, %get3A_49] : memref<2x128xf32, #tpu.memory_space<vmem>>, vector<1x128xf32>
      %reduce_sum3A = arith.constant dense<0.000000e+00> : vector<128xf32>
      %reduce_sum3A_51 = vector.multi_reduction <add>, %add3A_39, %reduce_sum3A [0] : vector<1000x128xf32> to vector<128xf32>
      %broadcast_in_dim3A = vector.shape_cast %reduce_sum3A_51 : vector<128xf32> to vector<1x128xf32>
      %add3A_52 = arith.addf %get3A_50, %broadcast_in_dim3A : vector<1x128xf32>
      %swap3A_53 = arith.constant 0 : index
      %swap3A_54 = arith.constant 0 : index
      %swap3A_55 = vector.load %arg13[%swap3A_53, %swap3A_54] : memref<2x128xf32, #tpu.memory_space<vmem>>, vector<1x128xf32>
      tpu.vector_store %arg13[%swap3A_53, %swap3A_54], %add3A_52 {strides = array<i32>} : memref<2x128xf32, #tpu.memory_space<vmem>>, vector<1x128xf32>,
      %get3A_56 = arith.constant 1 : index
      %get3A_57 = arith.constant 0 : index
      %get3A_58 = vector.load %arg13[%get3A_56, %get3A_57] : memref<2x128xf32, #tpu.memory_space<vmem>>, vector<1x128xf32>
      %mul3A_59 = arith.mulf %add3A_39, %add3A_39 : vector<1000x128xf32>
      %reduce_sum3A_60 = arith.constant dense<0.000000e+00> : vector<128xf32>
      %reduce_sum3A_61 = vector.multi_reduction <add>, %mul3A_59, %reduce_sum3A_60 [0] : vector<1000x128xf32> to vector<128xf32>
      %broadcast_in_dim3A_62 = vector.shape_cast %reduce_sum3A_61 : vector<128xf32> to vector<1x128xf32>
      %add3A_63 = arith.addf %get3A_58, %broadcast_in_dim3A_62 : vector<1x128xf32>
      %swap3A_64 = arith.constant 1 : index
      %swap3A_65 = arith.constant 0 : index
      %swap3A_66 = vector.load %arg13[%swap3A_64, %swap3A_65] : memref<2x128xf32, #tpu.memory_space<vmem>>, vector<1x128xf32>
      tpu.vector_store %arg13[%swap3A_64, %swap3A_65], %add3A_63 {strides = array<i32>} : memref<2x128xf32, #tpu.memory_space<vmem>>, vector<1x128xf32>,
    } else {
    }
    %eq3A_2 = arith.constant 1 : i32
    %eq3A_3 = arith.cmpi eq, %arg0, %eq3A_2 : i32
    %convert_element_type3A_4 = arith.extui %eq3A_3 : i1 to i32
    %cond3A_5 = arith.constant 0 : i32
    %cond3A_6 = arith.cmpi ne, %convert_element_type3A_4, %cond3A_5 : i32
    scf.if %cond3A_6 {
      %get3A = arith.constant 0 : index
      %get3A_7 = arith.constant 0 : index
      %get3A_8 = vector.load %arg13[%get3A, %get3A_7] : memref<2x128xf32, #tpu.memory_space<vmem>>, vector<1x128xf32>
      %mul3A = arith.constant 9.99999974E-5 : f32
      %mul3A_9 = vector.broadcast %mul3A : f32 to vector<1x128xf32>
      %mul3A_10 = arith.mulf %get3A_8, %mul3A_9 : vector<1x128xf32>
      %get3A_11 = arith.constant 1 : index
      %get3A_12 = arith.constant 0 : index
      %get3A_13 = vector.load %arg13[%get3A_11, %get3A_12] : memref<2x128xf32, #tpu.memory_space<vmem>>, vector<1x128xf32>
      %mul3A_14 = arith.constant 9.99999974E-5 : f32
      %mul3A_15 = vector.broadcast %mul3A_14 : f32 to vector<1x128xf32>
      %mul3A_16 = arith.mulf %get3A_13, %mul3A_15 : vector<1x128xf32>
      %mul3A_17 = arith.mulf %mul3A_10, %mul3A_10 : vector<1x128xf32>
      %sub3A = arith.subf %mul3A_16, %mul3A_17 : vector<1x128xf32>
      %add3A = arith.constant 9.99999974E-6 : f32
      %add3A_18 = vector.broadcast %add3A : f32 to vector<1x128xf32>
      %add3A_19 = arith.addf %sub3A, %add3A_18 : vector<1x128xf32>
      %rsqrt3A = math.rsqrt %add3A_19 : vector<1x128xf32>
      %mul3A_20 = arith.constant 1000 : i32
      %mul3A_21 = arith.muli %arg1, %mul3A_20 : i32
      %get3A_22 = arith.index_cast %mul3A_21 : i32 to index
      %get3A_23 = arith.constant 0 : index
      %get3A_24 = vector.load %arg12[%get3A_22, %get3A_23] : memref<10000x128xf32, #tpu.memory_space<vmem>>, vector<1000x128xf32>
      %sub3A_25 = vector.broadcast %mul3A_10 : vector<1x128xf32> to vector<1000x128xf32>
      %sub3A_26 = arith.subf %get3A_24, %sub3A_25 : vector<1000x128xf32>
      %get3A_27 = arith.constant 0 : index
      %get3A_28 = arith.constant 0 : index
      %get3A_29 = vector.load %arg9[%get3A_27, %get3A_28] : memref<1x128xf32, #tpu.memory_space<vmem>>, vector<1x128xf32>
      %mul3A_30 = arith.mulf %rsqrt3A, %get3A_29 : vector<1x128xf32>
      %mul3A_31 = vector.broadcast %mul3A_30 : vector<1x128xf32> to vector<1000x128xf32>
      %mul3A_32 = arith.mulf %sub3A_26, %mul3A_31 : vector<1000x128xf32>
      %get3A_33 = arith.constant 0 : index
      %get3A_34 = arith.constant 0 : index
      %get3A_35 = vector.load %arg10[%get3A_33, %get3A_34] : memref<1x128xf32, #tpu.memory_space<vmem>>, vector<1x128xf32>
      %add3A_36 = vector.broadcast %get3A_35 : vector<1x128xf32> to vector<1000x128xf32>
      %add3A_37 = arith.addf %mul3A_32, %add3A_36 : vector<1000x128xf32>
      %swap3A = arith.constant 0 : index
      %swap3A_38 = arith.constant 0 : index
      %swap3A_39 = vector.load %arg11[%swap3A, %swap3A_38] : memref<1000x128xf32, #tpu.memory_space<vmem>>, vector<1000x128xf32>
      tpu.vector_store %arg11[%swap3A, %swap3A_38], %add3A_37 {strides = array<i32>} : memref<1000x128xf32, #tpu.memory_space<vmem>>, vector<1000x128xf32>,
    } else {
    }
    return
  }
  func.func @transform_0(%arg0: i32, %arg1: i32) -> (i32, i32) {
    %sub3A = arith.constant 1 : i32
    %sub3A_0 = arith.subi %sub3A, %arg0 : i32
    %mul3A = arith.muli %arg1, %sub3A_0 : i32
    %c0_i32 = arith.constant 0 : i32
    %c0_i32_1 = arith.constant 0 : i32
    return %mul3A, %c0_i32 : i32, i32
  }
  func.func @transform_1(%arg0: i32, %arg1: i32) -> (i32, i32) {
    %sub3A = arith.constant 1 : i32
    %sub3A_0 = arith.subi %sub3A, %arg0 : i32
    %mul3A = arith.muli %arg1, %sub3A_0 : i32
    %c0_i32 = arith.constant 0 : i32
    %c0_i32_1 = arith.constant 0 : i32
    return %mul3A, %c0_i32 : i32, i32
  }
  func.func @transform_2(%arg0: i32, %arg1: i32) -> (i32, i32) {
    %sub3A = arith.constant 1 : i32
    %sub3A_0 = arith.subi %sub3A, %arg0 : i32
    %mul3A = arith.muli %arg1, %sub3A_0 : i32
    %c0_i32 = arith.constant 0 : i32
    %c0_i32_1 = arith.constant 0 : i32
    return %mul3A, %c0_i32 : i32, i32
  }
  func.func @transform_3(%arg0: i32, %arg1: i32) -> (i32, i32) {
    %c0_i32 = arith.constant 0 : i32
    %c0_i32_0 = arith.constant 0 : i32
    %c0_i32_1 = arith.constant 0 : i32
    return %c0_i32, %c0_i32_0 : i32, i32
  }
  func.func @transform_4(%arg0: i32, %arg1: i32) -> (i32, i32) {
    %c0_i32 = arith.constant 0 : i32
    %c0_i32_0 = arith.constant 0 : i32
    %c0_i32_1 = arith.constant 0 : i32
    return %c0_i32, %c0_i32_0 : i32, i32
  }
  func.func @transform_5(%arg0: i32, %arg1: i32) -> (i32, i32) {
    %c0_i32 = arith.constant 0 : i32
    %c0_i32_0 = arith.constant 0 : i32
    %c0_i32_1 = arith.constant 0 : i32
    return %c0_i32, %c0_i32_0 : i32, i32
  }
  func.func @transform_6(%arg0: i32, %arg1: i32) -> (i32, i32) {
    %c0_i32 = arith.constant 0 : i32
    %c0_i32_0 = arith.constant 0 : i32
    %c0_i32_1 = arith.constant 0 : i32
    return %c0_i32, %c0_i32_0 : i32, i32
  }
  func.func @transform_7(%arg0: i32, %arg1: i32) -> (i32, i32) {
    %c0_i32 = arith.constant 0 : i32
    %c0_i32_0 = arith.constant 0 : i32
    %c0_i32_1 = arith.constant 0 : i32
    return %c0_i32, %c0_i32_0 : i32, i32
  }
  func.func @transform_8(%arg0: i32, %arg1: i32) -> (i32, i32) {
    %c0_i32 = arith.constant 0 : i32
    %c0_i32_0 = arith.constant 0 : i32
    %c0_i32_1 = arith.constant 0 : i32
    return %c0_i32, %c0_i32_0 : i32, i32
  }
  func.func @transform_9(%arg0: i32, %arg1: i32) -> (i32, i32) {
    %c0_i32 = arith.constant 0 : i32
    %c0_i32_0 = arith.constant 0 : i32
    return %arg1, %c0_i32 : i32, i32
  }
}

</mosaic_0001>

<sc_bundles>
// kernel: kernel.4.cloned.1.call-start
scs
__scs_entry_jumppad:
0x0: {  	(pc) =	sbr.rel $0x88, $3  }
0x1: {  	(tag) =	ssettag $0x0;
	lr =	simm.s32 $0x1  }
0x2: {  	[smem:$0x3F99] =	sst lr;
	_ =	strace $0xD0000000  }
0x3: {  	_ = 	snop  }
0x4: {  	_ = 	snop  }
0x5: {  	_ = 	snop  }
0x6: {  	_ = 	snop  }
0x7: {  	_ = 	snop  }
__scs_overlays_trampoline_lowered:
0x8: {  	[smem:$0x3FA8] =	sst s0  }
0x9: {  	[smem:$0x3FA9] =	sst s1  }
0xa: {  	[smem:$0x3FAA] =	sst s2  }
0xb: {  	[smem:$0x3FAB] =	sst s3  }
0xc: {  	[smem:$0x3FAC] =	sst s4  }
0xd: {  	[smem:$0x3FAD] =	sst s5  }
0xe: {  	[smem:$0x3FAE] =	sst s6  }
0xf: {  	[smem:$0x3FAF] =	sst s7  }
0x10: {  	[smem:$0x3FB0] =	sst s8  }
0x11: {  	[smem:$0x3FB1] =	sst s9;
	s0 =	simm.s32 @!p0 $0x0  }
0x12: {  	s1 =	sld [smem:$0x3F97];
	s0 =	simm.s32 @p0 $0x1  }
0x13: {  	[smem:$0x3FB2] =	sst s0;
	s0 =	simm.s32 @!p1 $0x0  }
0x14: {  	s2 =	sld [smem:$0x3F96];
	s0 =	simm.s32 @p1 $0x1  }
0x15: {  	[smem:$0x3FB3] =	sst s0;
	s0 =	simm.s32 @!p2 $0x0  }
0x16: {  	s3 =	sld [smem:$0x3FDB];
	s0 =	simm.s32 @p2 $0x1  }
0x17: {  	s4 =	simm.s32 $0x1BF5;
	[smem:$0x3FB5] =	sst s0  }
0x18: {  	s0 =	sld [smem:$0x3F98];
	_ =	swait.ge [sflag:s4], $0x0  }
0x19: {  	s7 =	sld [smem:$0x3F99]  }
0x1a: {  	s8 =	sadd.s32 $0xFFFFE003, lr  }
0x1b: {  	s9 =	sadd.s32 $0xFFFFFEF7, lr;
	s5 =	simm.s32 $0xFFFFFFFF;
	p2 =	slt.u32 s8, $0xFFFFF086  }
0x1c: {  	p1 =	slt.u32 s9, $0xF7A;
	s5 =	simm.s32 @!p2 $0x0  }
0x1d: {  	s5 =	simm.s32 @p1 $0x1;
	p0 =	seq.s32 s7, s2  }
0x1e: {  	s7 =	smul.u32 @!p0 $0xF7A, s2;
	p2 =	seq.s32 @!p0 s5, $0x0  }
0x1f: {  	s9 =	smul.u32 $0xF7A, s1;
	s8 =	simm.s32 @!p0 $0x1BF5;
	p2 =	por !p2, p0  }
0x20: {  	[sflag:s8] =	ssyncset.s32 @!p0 $0xFFFFF086;
	s6 =	sadd.s32 @!p0 s3, s7;
	s7 =	simm.s32 @!p0 $0x108  }
0x21: {  	s3 =	sadd.s32 s3, s9;
	s6 =	sadd.s32 @!p0 $0x88, s6;
	s7 =	simm.s32 @p2 $0x1082  }
0x22: {  	[simem:s7], [sflag:s8] =	dma.local @!p0 [hbm:s6], $0xF7A  }
0x23: {  	s9 =	sor.u32 $0xD0000000, s2;
	s6 =	simm.s32 $0x108;
	_ =	swait.ge @!p0 [sflag:s8], $0x0  }
0x24: {  	s3 =	sadd.s32 $0x88, s3;
	s6 =	simm.s32 @!p1 $0x1082;
	[sflag:s4] =	ssyncset.s32 $0xFFFFF086  }
0x25: {  	[simem:s6], [sflag:s4] =	dma.local [hbm:s3], $0xF7A  }
0x26: {  	[smem:$0x3F99] =	sst s1;
	(tag) =	ssettag s2;
	_ =	strace s9  }
0x27: {  	s1 =	sld [smem:$0x3FA9]  }
0x28: {  	s2 =	sld [smem:$0x3FAA]  }
0x29: {  	s4 =	sld [smem:$0x3FAC]  }
0x2a: {  	p0 =	seq.s32 s5, $0x0;
	s5 =	sld [smem:$0x3FAD]  }
0x2b: {  	s6 =	sld [smem:$0x3FAE]  }
0x2c: {  	s7 =	sld [smem:$0x3FAF]  }
0x2d: {  	s3 =	simm.s32 $0x108;
	s8 =	sld [smem:$0x3FB0]  }
0x2e: {  	s3 =	simm.s32 @!p0 $0x1082;
	s9 =	sld [smem:$0x3FB1]  }
0x2f: {  	lr =	sadd.s32 s0, s3;
	s0 =	sld [smem:$0x3FA8]  }
0x30: {  	s3 =	sld [smem:$0x3FAB]  }
0x31: {  	[smem:$0x3FB4] =	sst s10  }
0x32: {  	s10 =	sld [smem:$0x3FB2];
	_ =	sdelay $0x3  }
0x33: {  	p0 =	seq.s32 s10, $0x1;
	s10 =	sld [smem:$0x3FB4];
	_ =	sdelay $0x3  }
0x34: {  	[smem:$0x3FB4] =	sst s10  }
0x35: {  	s10 =	sld [smem:$0x3FB3];
	_ =	sdelay $0x3  }
0x36: {  	p1 =	seq.s32 s10, $0x1;
	s10 =	sld [smem:$0x3FB4];
	_ =	sdelay $0x3  }
0x37: {  	[smem:$0x3FB4] =	sst s10  }
0x38: {  	s10 =	sld [smem:$0x3FB5]  }
0x39: {  	_ = 	snop;
	(pc) =	sbr.ind lr, $3  }
0x3a: {  	_ = 	snop  }
0x3b: {  	_ = 	snop  }
0x3c: {  	p2 =	seq.s32 s10, $0x1;
	s10 =	sld [smem:$0x3FB4]  }
0x3d: {  	_ =	shalt  }
0x3e: {  	_ =	shalt  }
0x3f: {  	_ =	shalt  }
0x40: {  	_ =	shalt  }
0x41: {  	_ =	shalt  }
0x42: {  	_ =	shalt  }
0x43: {  	_ =	shalt  }
0x44: {  	_ =	shalt  }
0x45: {  	_ =	shalt  }
0x46: {  	_ =	shalt  }
0x47: {  	_ =	shalt  }
0x48: {  	_ =	shalt  }
0x49: {  	_ =	shalt  }
0x4a: {  	_ =	shalt  }
0x4b: {  	_ =	shalt  }
0x4c: {  	_ =	shalt  }
0x4d: {  	_ =	shalt  }
0x4e: {  	_ =	shalt  }
0x4f: {  	_ =	shalt  }
0x50: {  	_ =	shalt  }
0x51: {  	_ =	shalt  }
0x52: {  	_ =	shalt  }
0x53: {  	_ =	shalt  }
0x54: {  	_ =	shalt  }
0x55: {  	_ =	shalt  }
0x56: {  	_ =	shalt  }
0x57: {  	_ =	shalt  }
0x58: {  	_ =	shalt  }
0x59: {  	_ =	shalt  }
0x5a: {  	_ =	shalt  }
0x5b: {  	_ =	shalt  }
0x5c: {  	_ =	shalt  }
0x5d: {  	_ =	shalt  }
0x5e: {  	_ =	shalt  }
0x5f: {  	_ =	shalt  }
0x60: {  	_ =	shalt  }
0x61: {  	_ =	shalt  }
0x62: {  	_ =	shalt  }
0x63: {  	_ =	shalt  }
0x64: {  	_ =	shalt  }
0x65: {  	_ =	shalt  }
0x66: {  	_ =	shalt  }
0x67: {  	_ =	shalt  }
0x68: {  	_ =	shalt  }
0x69: {  	_ =	shalt  }
0x6a: {  	_ =	shalt  }
0x6b: {  	_ =	shalt  }
0x6c: {  	_ =	shalt  }
0x6d: {  	_ =	shalt  }
0x6e: {  	_ =	shalt  }
0x6f: {  	_ =	shalt  }
0x70: {  	_ =	shalt  }
0x71: {  	_ =	shalt  }
0x72: {  	_ =	shalt  }
0x73: {  	_ =	shalt  }
0x74: {  	_ =	shalt  }
0x75: {  	_ =	shalt  }
0x76: {  	_ =	shalt  }
0x77: {  	_ =	shalt  }
0x78: {  	_ =	shalt  }
0x79: {  	_ =	shalt  }
0x7a: {  	_ =	shalt  }
0x7b: {  	_ =	shalt  }
0x7c: {  	_ =	shalt  }
0x7d: {  	_ =	shalt  }
0x7e: {  	_ =	shalt  }
0x7f: {  	_ =	shalt  }
0x80: {  	_ =	shalt  }
0x81: {  	_ =	shalt  }
0x82: {  	_ =	shalt  }
0x83: {  	_ =	shalt  }
0x84: {  	_ =	shalt  }
0x85: {  	_ =	shalt  }
0x86: {  	_ =	shalt  }
0x87: {  	_ =	shalt  }
.Lfunc_end0:
.L_simem_size_0:
called_computation_lowered:
.L_overlay_start_0:
0x88: {  	s2 =	sld [smem:$0x3FD9]  }
0x89: {  	s3 =	sld [smem:$0x3FFE];
	_ =	sdelay $0x1  }
0x8a: {  	s1 =	srdreg.scid  }
0x8b: {  	s0 =	sand.u32 $0x1, s1  }
0x8c: {  	s17 =	sshll.u32 s0, $0xA;
	s2 =	sadd.s32 s3, s2  }
0x8d: {  	s2 =	sadd.s32 s2, s17  }
0x8e: {  	[smem:$0x3FC0] =	sst s2  }
0x8f: {  	_ = 	snop  }
0x90: {  	s2 =	sld [smem:$0x3FD0];
	(tm) =	ssettm $0x1  }
0x91: {  	s18 =	sld [smem:$0x3FFB];
	_ =	sdelay $0x3  }
0x92: {  	_ =	strace s18  }
0x93: {  	s3 =	sld [smem:$0x3FFC];
	_ =	sdelay $0x3  }
0x94: {  	_ =	strace s3  }
0x95: {  	s3 =	sld [smem:$0x3FFD];
	_ =	sdelay $0x3  }
0x96: {  	_ =	strace s3  }
0x97: {  	_ =	strace $0x8FFFFFFF  }
0x98: {  	s19 =	sld [smem:$0x3FDB];
	_ =	sdelay $0x1  }
0x99: {  	s4 =	simm.s32 $_scs_section_size  }
0x9a: {  	s5 =	simm.s32 $_size__tile_overlayer_lowered;
	s6 =	simm.s32 $_tile_overlayer_lowered  }
0x9b: {  	s22 =	simm.s32 $0x1BFF;
	s21 =	sshll.u32 s6, $0x1;
	s3 =	sadd.s32 s4, s19  }
0x9c: {  	s7 =	simm.s32 $0x0;
	s20 =	sshll.u32 s5, $0x1;
	s5 =	sadd.s32 s21, s3  }
0x9d: {  	[timem:s7], [sflag:s22] =	dma.local [hbm:s5], s20  }
0x9e: {  	_ =	swait.ge [sflag:s22], s20  }
0x9f: {  	s4 =	ssub.s32 $0x0, s20;
	[sflag:s22] =	ssyncset.done $0x0  }
0xa0: {  	[sflag:s22] =	ssyncadd.s32 s4;
	_ =	sdelay $0x1  }
0xa1: {  	s23 =	simm.s32 $0x1B8B  }
0xa2: {  	_ =	swait.ge [sflag:s23], $0x1  }
0xa3: {  	[sflag:s23] =	ssyncset.done $0x0  }
0xa4: {  	s25 =	simm.s32 $0x1B8E;
	s24 =	sld [smem:$0x3FFE];
	[sflag:s23] =	ssyncadd.s32 $0xFFFFFFFF  }
0xa5: {  	s26 =	simm.s32 $execute0_lowered;
	[smem:$0x3FD2] =	sst s25  }
0xa6: {  	s5 =	sshll.u32 s26, $0x1;
	_ =	strace $0x80000046;
	[dreg:$0x1] =	wrdreg $0xFFFFFFFF  }
0xa7: {  	s28 =	simm.s32 $_size_execute0_lowered;
	s3 =	sadd.s32 s3, s5;
	[dreg:$0x0] =	wrdreg $0x0  }
0xa8: {  	s5 =	sshll.u32 s28, $0x1;
	[dreg:$0x2] =	wrdreg s3  }
0xa9: {  	[dreg:$0x3] =	wrdreg s5  }
0xaa: {  	[dreg:$0x4] =	wrdreg $0xC0  }
0xab: {  	_ =	task [dreg:s7], $0x5FFFF  }
0xac: {  	[dreg:$0x1] =	wrdreg $0xFFFFFFFF  }
0xad: {  	[dreg:$0x0] =	wrdreg $0x60  }
0xae: {  	[dreg:$0x2] =	wrdreg s2  }
0xaf: {  	[dreg:$0x3] =	wrdreg s24  }
0xb0: {  	[dreg:$0x4] =	wrdreg $0xC3000  }
0xb1: {  	[dreg:$0x5] =	wrdreg $0x111400  }
0xb2: {  	[dreg:$0x6] =	wrdreg $0x15F800  }
0xb3: {  	[dreg:$0x7] =	wrdreg $0x1ADC00  }
0xb4: {  	[dreg:$0x8] =	wrdreg $0x9  }
0xb5: {  	_ =	task.clear_ibuf [dreg:s7], $0x9FFFF;
	_ =	strace $0x90000046  }
0xb6: {  	s29 =	simm.s32 $0x9;
	_ =	strace $0x80000048  }
0xb7: {  	_ =	swait.ge [sflag:s29], $0x1  }
0xb8: {  	[sflag:s29] =	ssyncadd.s32 $0xFFFFFFFF  }
0xb9: {  	_ =	strace $0x90000048  }
0xba: {  	_ =	sfence  }
0xbb: {  	s30 =	sld [smem:$0x0];
	_ =	sdelay $0x2  }
0xbc: {  	s31 =	sshll.u32 s1, $0xD;
	s1 =	sshrl.u32 s1, $0x2  }
0xbd: {  	s3 =	sand.u32 $0x4000, s31;
	s1 =	sadd.s32 s1, s30  }
0xbe: {  	s0 =	sor.u32 s3, s0;
	s1 =	sshll.u32 s1, $0x11  }
0xbf: {  	s0 =	sor.u32 s1, s0  }
0xc0: {  	s0 =	sadd.s32 $0x8F2B, s0  }
0xc1: {  	[sflag:s0] =	ssyncadd.remote.s32 $0x1  }
0xc2: {  	_ =	sfence.sel $0xFFFF  }
0xc3: {  	[dreg:$0x0] =	wrdreg $0xFFFFFFFF;
	(pc) =	sbr.abs _section_cstart, $3  }
0xc4: {  	[dreg:$0x1] =	wrdreg $0xFFFFFFFF  }
0xc5: {  	_ =	task.clear_ibuf [dreg:s7], $0x2FFFF;
	_ =	strace $0x9FFFFFFF  }
0xc6: {  	(tm) =	ssettm $0x7FFFFFFF  }
0xc7: {  	_ =	shalt  }
tec
execute0_lowered:
.L_overlay_start_1:
0x0: {  	(tag) =	ssettag $0x1  }
0x1: {  	s1 =	rddreg [dreg:$0x0]  }
0x2: {  	s0 =	rddreg [dreg:$0x1]  }
0x3: {  	s2 =	rddreg [dreg:$0x2]  }
0x4: {  	s3 =	rddreg [dreg:$0x3]  }
0x5: {  	s4 =	rddreg [dreg:$0x4]  }
0x6: {  	s5 =	rddreg [dreg:$0x5]  }
0x7: {  	s6 =	simm.s32 $0x0;
	s7 =	srdreg.scid;
	s11 =	stileid.u32  }
0x8: {  	s31 =	simm.s32 $0x100;
	s29 =	simm.s32 $0x200;
	s30 =	simm.s32 $0x3  }
0x9: {  	[smem:$0x7FF] =	sst s6;
	s8 =	sadd.s32 $0x15200, s0;
	s9 =	sadd.s32 $0xB400, s0  }
0xa: {  	s10 =	sadd.s32 $0x1600, s0;
	s25 =	sadd.s32 $0x28E00, s0;
	s7 =	sand.u32 $0x1, s7  }
0xb: {  	s12 =	sshll.u32 s11, $0x1;
	s13 =	sadd.s32 $0x1F000, s0;
	s14 =	smul.u32 $0x13900, s11  }
0xc: {  	s15 =	sadd.s32 $0x32C00, s0;
	s0 =	sadd.s32 $0x35400, s0;
	s19 =	smul.u32 $0x13C00, s11  }
0xd: {  	s20 =	smul.u32 $0x4E00, s11;
	p0 =	sgt.u32 s11, $0x3;
	p1 =	sgt.u32 s11, $0x1  }
0xe: {  	_ =	strace $0x80000047;
	s12 =	sor.u32 s7, s12;
	s18 =	smul.u32 $0x138800, s7  }
0xf: {  	[dreg:$0x7] =	wrdreg s15;
	s26 =	ssub.s32 $0x2, s7;
	s7 =	smul.u32 $0x2700, s7  }
0x10: {  	p2 =	seq.s32 s11, $0xF;
	[smem:$0x7F5] =	sst s25;
	s16 =	smul.u32 $0x2700, s12  }
0x11: {  	s17 =	sshrl.u32 s26, $0x1;
	s22 =	sadd.s32 s14, s3;
	s12 =	sshll.u32 s12, $0x4  }
0x12: {  	s15 =	ssub.s32 s26, s17;
	s19 =	sadd.s32 s19, s18;
	s18 =	sshrl.u32 s18, $0x3  }
0x13: {  	s17 =	sadd.s32 s14, s2;
	s18 =	sadd.s32 s0, s18;
	s15 =	smax.u32 s15, $0x1  }
0x14: {  	s16 =	sshrl.u32 s16, $0x3;
	s21 =	sadd.s32 $0x25080, s18;
	[dreg:$0x13] =	wrdreg s15  }
0x15: {  	s19 =	sshrl.u32 s19, $0x3;
	s24 =	sadd.s32 $0x25084, s18;
	[dreg:$0xa] =	wrdreg s21  }
0x16: {  	s19 =	sadd.s32 s0, s19;
	s26 =	sadd.s32 $0x25088, s18;
	[dreg:$0xb] =	wrdreg s24  }
0x17: {  	s0 =	sadd.s32 s7, s20;
	s18 =	sadd.s32 $0x2508C, s18;
	[dreg:$0xc] =	wrdreg s26  }
0x18: {  	s28 =	sadd.s32 s25, s16;
	[dreg:$0xd] =	wrdreg s18;
	s20 =	sadd.s32 $0x100, s0  }
0x19: {  	s21 =	sor.u32 $0x80, s0;
	s26 =	smul.u32 $0x4F00, s11;
	[dreg:$0x8] =	wrdreg s28  }
0x1a: {  	s18 =	sshrl.u32 s0, $0x3;
	[dreg:$0x9] =	wrdreg s19;
	s7 =	sshrl.u32 s20, $0x3  }
0x1b: {  	s24 =	sshrl.u32 s21, $0x3;
	s16 =	sadd.s32 s18, s13;
	s20 =	sadd.s32 $0x280, s0  }
0x1c: {  	s18 =	sadd.s32 $0x4A100, s4;
	s7 =	sadd.s32 s7, s13;
	[dreg:$0x10] =	wrdreg s16  }
0x1d: {  	s21 =	sshrl.u32 s20, $0x3;
	s20 =	sshrl.u32 s18, $0x3;
	[dreg:$0xe] =	wrdreg s7  }
0x1e: {  	s12 =	sor.u32 $0x9C00, s12;
	s7 =	sadd.s32 s24, s13;
	[smem:$0x7F7] =	sst s20  }
0x1f: {  	s16 =	sadd.s32 s26, s4;
	s13 =	sadd.s32 s13, s12;
	[dreg:$0xf] =	wrdreg s7  }
0x20: {  	s12 =	sadd.s32 s25, s12;
	s24 =	sadd.s32 $0x200, s0;
	[dreg:$0x11] =	wrdreg s13  }
0x21: {  	s15 =	sadd.s32 s21, s25;
	s0 =	sadd.s32 $0x180, s0;
	[dreg:$0x12] =	wrdreg s12  }
0x22: {  	s12 =	sadd.s32 s26, s2;
	s13 =	sadd.s32 s26, s3;
	[dreg:$0x14] =	wrdreg s15  }
0x23: {  	s24 =	sshrl.u32 s24, $0x3;
	[dreg:$0x15] =	wrdreg s0;
	s0 =	sshrl.u32 @!p0 s17, $0x3  }
0x24: {  	s7 =	sadd.s32 s26, s5;
	s26 =	sadd.s32 s24, s25;
	[dreg:$0x16] =	wrdreg s0  }
0x25: {  	s23 =	sadd.s32 s14, s4;
	s0 =	sshrl.u32 @!p0 s22, $0x3;
	[smem:$0x7F6] =	sst s26  }
0x26: {  	s14 =	sadd.s32 s14, s5;
	s12 =	sshrl.u32 s12, $0x3;
	[dreg:$0x17] =	wrdreg s0  }
0x27: {  	s11 =	simm.s32 $0x0;
	s13 =	sshrl.u32 s13, $0x3;
	[dreg:$0x1a] =	wrdreg s12  }
0x28: {  	s18 =	simm.s32 $0x7;
	s15 =	sshrl.u32 s7, $0x3;
	[dreg:$0x1b] =	wrdreg s13  }
0x29: {  	s21 =	sadd.s32 $0x4A100, s5;
	s22 =	sadd.s32 $0x10, s28;
	[dreg:$0x1d] =	wrdreg s15  }
0x2a: {  	s17 =	sadd.s32 $0x4A100, s3;
	s24 =	sadd.s32 $0x4, s19;
	[smem:$0x7F9] =	sst s22  }
0x2b: {  	s25 =	sadd.s32 $0x8, s19;
	s0 =	sshrl.u32 @!p0 s23, $0x3;
	[smem:$0x7FB] =	sst s24  }
0x2c: {  	s23 =	sadd.s32 $0x20, s28;
	[smem:$0x7FC] =	sst s25;
	s26 =	sadd.s32 $0xC, s19  }
0x2d: {  	s28 =	simm.s32 $0x2300;
	s25 =	simm.s32 $0x8300;
	s22 =	simm.s32 $0x9300  }
0x2e: {  	s12 =	simm.s32 $0x1;
	s13 =	simm.s32 $0x180;
	[dreg:$0x18] =	wrdreg s0  }
0x2f: {  	s24 =	simm.s32 $0x2;
	s15 =	simm.s32 $0x280;
	[smem:$0x7FA] =	sst s23  }
0x30: {  	s0 =	sshrl.u32 @!p0 s14, $0x3;
	s14 =	sshrl.u32 s16, $0x3;
	[smem:$0x7FD] =	sst s26  }
.Ltmp0:
0x31: {  	s16 =	sadd.s32 $0x4A100, s2;
	[dreg:$0x19] =	wrdreg s0;
	(pc) =	sbr.rel .LBB2_1-.Ltmp0, $4  }
0x32: {  	s23 =	simm.s32 $0xA300;
	[dreg:$0x1c] =	wrdreg s14;
	s0 =	sshrl.u32 s16, $0x3  }
0x33: {  	s26 =	simm.s32 $0xB300;
	[dreg:$0x1e] =	wrdreg s0;
	s0 =	sshrl.u32 s17, $0x3  }
0x34: {  	s14 =	simm.s32 $0x80;
	[dreg:$0x1f] =	wrdreg s0;
	s0 =	sshrl.u32 s21, $0x3  }
0x35: {  	s16 =	simm.s32 $0x6;
	[smem:$0x7F8] =	sst s0;
	s0 =	simm.s32 $0x3300  }
.LBB2_8:
0x36: {  	s7 =	rddreg [dreg:$0xa]  }
0x37: {  	s11 =	rddreg [dreg:$0x1e];
	s17 =	simm.s32 $0x10;
	s19 =	simm.s32 $0x1FC7  }
0x38: {  	[hbm:s7@s17], [sflag:s19] =	dma.strided [spmem:s11@s21], $0x820, s12, $0x4   }
0x39: {  	_ =	swait.ge [sflag:s18], $0x820  }
0x3a: {  	[sflag:s18] =	ssyncset.done $0x0;
	s11 =	rddreg [dreg:$0xb]  }
0x3b: {  	s20 =	rddreg [dreg:$0x1f];
	[sflag:s18] =	ssyncadd.s32 $0xFFFFF7E0  }
0x3c: {  	[hbm:s11@s17], [sflag:s19] =	dma.strided [spmem:s20@s21], $0x820, s12, $0x4   }
0x3d: {  	_ =	swait.ge [sflag:s18], $0x820  }
0x3e: {  	s20 =	sld [smem:$0x7F7]  }
0x3f: {  	[sflag:s18] =	ssyncset.done $0x0  }
0x40: {  	s11 =	rddreg [dreg:$0xc];
	[sflag:s18] =	ssyncadd.s32 $0xFFFFF7E0  }
0x41: {  	[hbm:s11@s17], [sflag:s19] =	dma.strided [spmem:s20@s21], $0x820, s12, $0x4   }
0x42: {  	_ =	swait.ge [sflag:s18], $0x820  }
0x43: {  	s20 =	sld [smem:$0x7F8]  }
0x44: {  	[sflag:s18] =	ssyncset.done $0x0  }
0x45: {  	s11 =	rddreg [dreg:$0xd];
	[sflag:s18] =	ssyncadd.s32 $0xFFFFF7E0  }
0x46: {  	[hbm:s11@s17], [sflag:s19] =	dma.strided [spmem:s20@s21], $0x820, s12, $0x4   }
0x47: {  	_ =	swait.ge [sflag:s18], $0x820  }
0x48: {  	[sflag:s18] =	ssyncset.done $0x0  }
0x49: {  	s11 =	sld [smem:$0x7F4];
	[sflag:s18] =	ssyncadd.s32 $0xFFFFF7E0  }
.LBB2_9:
0x4a: {  	_ =	sdelay $0x1  }
0x4b: {  	s7 =	rddreg [dreg:$0x13];
	s11 =	sadd.s32 $0x1, s11  }
0x4c: {  	p3 =	sne.s32 s11, s7  }
.Ltmp1:
0x4d: {  	_ = 	snop;
	(pc) =	sbr.rel @!p3 .LBB2_10-.Ltmp1, $1  }
0x4e: {  	_ =	sdelay $0x3  }
.LBB2_1:
0x4f: {  	[smem:$0x7F4] =	sst s11;
	s7 =	stileid.u32  }
0x50: {  	s11 =	rddreg [dreg:$0x7];
	s7 =	sshll.u32 @!p0 s7, $0x6  }
0x51: {  	s17 =	rddreg [dreg:$0x16];
	s7 =	sor.u32 @!p0 $0x1C07, s7  }
0x52: {  	[spmem:s17], [sflag:s7] =	dma.local @!p0 [hbm:s11], $0x2720  }
0x53: {  	s17 =	simm.s32 @!p0 $0x7  }
0x54: {  	_ =	swait.ge @!p0 [sflag:s17], $0x2720  }
0x55: {  	[sflag:s17] =	ssyncset.done @!p0 $0x0  }
0x56: {  	s19 =	rddreg [dreg:$0x17];
	[sflag:s17] =	ssyncadd.s32 @!p0 $0xFFFFD8E0  }
0x57: {  	[spmem:s19], [sflag:s7] =	dma.local @!p0 [hbm:s11], $0x2720  }
0x58: {  	_ =	swait.ge @!p0 [sflag:s17], $0x2720  }
0x59: {  	[sflag:s17] =	ssyncset.done @!p0 $0x0  }
0x5a: {  	s19 =	rddreg [dreg:$0x18];
	[sflag:s17] =	ssyncadd.s32 @!p0 $0xFFFFD8E0  }
0x5b: {  	[spmem:s19], [sflag:s7] =	dma.local @!p0 [hbm:s11], $0x2720  }
0x5c: {  	_ =	swait.ge @!p0 [sflag:s17], $0x2720  }
0x5d: {  	[sflag:s17] =	ssyncset.done @!p0 $0x0  }
0x5e: {  	s19 =	rddreg [dreg:$0x19];
	[sflag:s17] =	ssyncadd.s32 @!p0 $0xFFFFD8E0  }
0x5f: {  	[spmem:s19], [sflag:s7] =	dma.local @!p0 [hbm:s11], $0x2720  }
0x60: {  	_ =	swait.ge @!p0 [sflag:s17], $0x2720  }
0x61: {  	[sflag:s17] =	ssyncset.done @!p0 $0x0  }
0x62: {  	[sflag:s17] =	ssyncadd.s32 @!p0 $0xFFFFD8E0  }
0x63: {  	[bflag:$0x0] =	sbarrier.arrive $0xFFFF  }
0x64: {  	s17 =	rddreg [dreg:$0x8]  }
0x65: {  	[tilespmem:s6], [sflag:$0x7] =	stream.linear.gather [hbm4b:s17+s6], $0x80, $0x38;
	[tilespmem:$0x1FC00] =	vst v63  }
0x66: {  	_ =	swait.ge [sflag:s18], $0x80  }
0x67: {  	[sflag:s18] =	ssyncset.done $0x0  }
0x68: {  	s19 =	simm.s32 $0x300;
	[sflag:s18] =	ssyncadd.s32 $0xFFFFFF80  }
0x69: {  	[tilespmem:s19], [sflag:$0x1] =	stream.indirect.gather [hbm4b:s1+s14], $0x20, s6, s14, $0xb8;
	[tilespmem:$0x1FC00] =	vst v63  }
0x6a: {  	s20 =	simm.s32 $0x1300  }
0x6b: {  	[tilespmem:s20], [sflag:$0x1] =	stream.indirect.gather [hbm4b:s8+s14], $0x20, s6, s14, $0xb8;
	[tilespmem:$0x1FC00] =	vst v63  }
0x6c: {  	_ = 	snop  }
0x6d: {  	[tilespmem:s28], [sflag:$0x1] =	stream.indirect.gather [hbm4b:s9+s14], $0x20, s6, s14, $0xb8;
	[tilespmem:$0x1FC00] =	vst v63  }
0x6e: {  	s21 =	sld [smem:$0x7F9]  }
0x6f: {  	[tilespmem:s0], [sflag:$0x1] =	stream.indirect.gather [hbm4b:s10+s14], $0x20, s6, s14, $0xb8;
	[tilespmem:$0x1FC00] =	vst v63  }
0x70: {  	_ = 	snop  }
0x71: {  	[tilespmem:s14], [sflag:$0x7] =	stream.linear.gather [hbm4b:s21+s6], $0x80, $0x38;
	[tilespmem:$0x1FC00] =	vst v63  }
0x72: {  	_ =	swait.ge [sflag:s18], $0x80  }
0x73: {  	[sflag:s18] =	ssyncset.done $0x0  }
0x74: {  	s11 =	simm.s32 $0x4300;
	[sflag:s18] =	ssyncadd.s32 $0xFFFFFF80  }
0x75: {  	[tilespmem:s11], [sflag:$0x2] =	stream.indirect.gather [hbm4b:s1+s14], $0x20, s14, s14, $0xb8;
	[tilespmem:$0x1FC00] =	vst v63  }
0x76: {  	s17 =	simm.s32 $0x5300  }
0x77: {  	[tilespmem:s17], [sflag:$0x2] =	stream.indirect.gather [hbm4b:s8+s14], $0x20, s14, s14, $0xb8;
	[tilespmem:$0x1FC00] =	vst v63  }
0x78: {  	s19 =	simm.s32 $0x6300  }
0x79: {  	[tilespmem:s19], [sflag:$0x2] =	stream.indirect.gather [hbm4b:s9+s14], $0x20, s14, s14, $0xb8;
	[tilespmem:$0x1FC00] =	vst v63  }
0x7a: {  	s20 =	simm.s32 $0x7300;
	s21 =	sld [smem:$0x7FA]  }
0x7b: {  	[tilespmem:s20], [sflag:$0x2] =	stream.indirect.gather [hbm4b:s10+s14], $0x20, s14, s14, $0xb8;
	[tilespmem:$0x1FC00] =	vst v63  }
0x7c: {  	_ = 	snop  }
0x7d: {  	[tilespmem:s31], [sflag:$0x7] =	stream.linear.gather [hbm4b:s21+s6], $0x80, $0x38;
	[tilespmem:$0x1FC00] =	vst v63  }
0x7e: {  	_ =	swait.ge [sflag:s18], $0x80  }
0x7f: {  	[sflag:s18] =	ssyncset.done $0x0  }
0x80: {  	[sflag:s18] =	ssyncadd.s32 $0xFFFFFF80  }
0x81: {  	[tilespmem:s25], [sflag:$0x3] =	stream.indirect.gather [hbm4b:s1+s14], $0x20, s31, s14, $0xb8;
	[tilespmem:$0x1FC00] =	vst v63  }
0x82: {  	_ = 	snop  }
0x83: {  	[tilespmem:s22], [sflag:$0x3] =	stream.indirect.gather [hbm4b:s8+s14], $0x20, s31, s14, $0xb8;
	[tilespmem:$0x1FC00] =	vst v63  }
0x84: {  	_ = 	snop  }
0x85: {  	[tilespmem:s23], [sflag:$0x3] =	stream.indirect.gather [hbm4b:s9+s14], $0x20, s31, s14, $0xb8;
	[tilespmem:$0x1FC00] =	vst v63  }
0x86: {  	s7 =	simm.s32 $0x0;
	s21 =	simm.s32 $0xB300;
	s17 =	rddreg [dreg:$0x15]  }
0x87: {  	[tilespmem:s26], [sflag:$0x3] =	stream.indirect.gather [hbm4b:s10+s14], $0x20, s31, s14, $0xb8;
	[tilespmem:$0x1FC00] =	vst v63  }
0x88: {  	s22 =	simm.s32 $0x8300;
	s23 =	simm.s32 $0x9300;
	s26 =	simm.s32 $0xA300  }
.LBB2_2:
0x89: {  	_ =	swait.ge [sflag:s12], $0x1000  }
0x8a: {  	[sflag:s12] =	ssyncset.done $0x0  }
0x8b: {  	[sflag:s12] =	ssyncadd.s32 $0xFFFFF000  }
0x8c: {  	_ =	swait.ge [sflag:s12], $0x1000  }
0x8d: {  	[sflag:s12] =	ssyncset.done $0x0  }
0x8e: {  	[sflag:s12] =	ssyncadd.s32 $0xFFFFF000  }
0x8f: {  	_ =	swait.ge [sflag:s12], $0x1000  }
0x90: {  	[sflag:s12] =	ssyncset.done $0x0  }
0x91: {  	[sflag:s12] =	ssyncadd.s32 $0xFFFFF000  }
0x92: {  	_ =	swait.ge [sflag:s12], $0x1000  }
0x93: {  	[sflag:s12] =	ssyncset.done $0x0;
	s11 =	rddreg [dreg:$0x10]  }
0x94: {  	[sflag:s12] =	ssyncadd.s32 $0xFFFFF000;
	s11 =	sadd.s32 s7, s11  }
0x95: {  	[tilespmem:s13], [sflag:$0x7] =	stream.linear.gather [hbm4b:s11+s6], $0x80, $0x38;
	[tilespmem:$0x1FC00] =	vst v63  }
0x96: {  	_ =	swait.ge [sflag:s18], $0x80  }
0x97: {  	[sflag:s18] =	ssyncset.done $0x0  }
0x98: {  	s19 =	simm.s32 $0x300;
	[sflag:s18] =	ssyncadd.s32 $0xFFFFFF80  }
0x99: {  	[spmem:s2] =	stream.indirect.scatter.add.f32 [tilespmem:s19], [sflag:$0x4], $0x20, s13, s14, $0xb8;
	[tilespmem:$0x1FC00] =	vst v63  }
0x9a: {  	s20 =	simm.s32 $0x1300  }
0x9b: {  	[spmem:s3] =	stream.indirect.scatter.add.f32 [tilespmem:s20], [sflag:$0x4], $0x20, s13, s14, $0xb8;
	[tilespmem:$0x1FC00] =	vst v63  }
0x9c: {  	p3 =	seq.s32 s7, $0x4B0  }
0x9d: {  	[spmem:s4] =	stream.indirect.scatter.add.f32 [tilespmem:s28], [sflag:$0x4], $0x20, s13, s14, $0xb8;
	[tilespmem:$0x1FC00] =	vst v63  }
0x9e: {  	s11 =	simm.s32 @!p3 $0x4  }
0x9f: {  	[spmem:s5] =	stream.indirect.scatter.add.f32 [tilespmem:s0], [sflag:$0x4], $0x20, s13, s14, $0xb8;
	[tilespmem:$0x1FC00] =	vst v63  }
0xa0: {  	_ =	swait.ge @!p3 [sflag:s11], $0x1000  }
0xa1: {  	[sflag:s11] =	ssyncset.done @!p3 $0x0  }
0xa2: {  	[sflag:s11] =	ssyncadd.s32 @!p3 $0xFFFFF000  }
0xa3: {  	_ =	swait.ge @!p3 [sflag:s11], $0x1000  }
0xa4: {  	[sflag:s11] =	ssyncset.done @!p3 $0x0  }
0xa5: {  	[sflag:s11] =	ssyncadd.s32 @!p3 $0xFFFFF000  }
0xa6: {  	_ =	swait.ge @!p3 [sflag:s11], $0x1000  }
0xa7: {  	[sflag:s11] =	ssyncset.done @!p3 $0x0  }
0xa8: {  	[sflag:s11] =	ssyncadd.s32 @!p3 $0xFFFFF000  }
0xa9: {  	_ =	swait.ge @!p3 [sflag:s11], $0x1000  }
0xaa: {  	[sflag:s11] =	ssyncset.done @!p3 $0x0  }
0xab: {  	[sflag:s11] =	ssyncadd.s32 @!p3 $0xFFFFF000;
	s11 =	sld [smem:$0x7F5];
	_ =	sdelay $0x1  }
0xac: {  	s19 =	sshrl.u32 @!p3 s17, $0x3  }
0xad: {  	s11 =	sadd.s32 @!p3 s11, s19;
	s19 =	simm.s32 @!p3 $0x0  }
0xae: {  	[tilespmem:s19], [sflag:$0x7] =	stream.linear.gather @!p3 [hbm4b:s11+s19], $0x80, $0x38;
	[tilespmem:$0x1FC00] =	vst v63  }
0xaf: {  	s11 =	simm.s32 @!p3 $0x7  }
0xb0: {  	_ =	swait.ge @!p3 [sflag:s11], $0x80  }
0xb1: {  	[sflag:s11] =	ssyncset.done @!p3 $0x0  }
0xb2: {  	s25 =	simm.s32 @!p3 $0x300;
	s20 =	simm.s32 @!p3 $0x80;
	[sflag:s11] =	ssyncadd.s32 @!p3 $0xFFFFFF80  }
0xb3: {  	[tilespmem:s25], [sflag:$0x1] =	stream.indirect.gather @!p3 [hbm4b:s1+s20], $0x20, s19, s20, $0xb8;
	[tilespmem:$0x1FC00] =	vst v63  }
0xb4: {  	s25 =	simm.s32 @!p3 $0x1300  }
0xb5: {  	[tilespmem:s25], [sflag:$0x1] =	stream.indirect.gather @!p3 [hbm4b:s8+s20], $0x20, s19, s20, $0xb8;
	[tilespmem:$0x1FC00] =	vst v63  }
0xb6: {  	s25 =	simm.s32 @!p3 $0x2300  }
0xb7: {  	[tilespmem:s25], [sflag:$0x1] =	stream.indirect.gather @!p3 [hbm4b:s9+s20], $0x20, s19, s20, $0xb8;
	[tilespmem:$0x1FC00] =	vst v63  }
0xb8: {  	s25 =	simm.s32 @!p3 $0x3300  }
0xb9: {  	[tilespmem:s25], [sflag:$0x1] =	stream.indirect.gather @!p3 [hbm4b:s10+s20], $0x20, s19, s20, $0xb8;
	[tilespmem:$0x1FC00] =	vst v63  }
0xba: {  	_ =	swait.ge [sflag:s24], $0x1000  }
0xbb: {  	[sflag:s24] =	ssyncset.done $0x0  }
0xbc: {  	[sflag:s24] =	ssyncadd.s32 $0xFFFFF000  }
0xbd: {  	_ =	swait.ge [sflag:s24], $0x1000  }
0xbe: {  	[sflag:s24] =	ssyncset.done $0x0  }
0xbf: {  	[sflag:s24] =	ssyncadd.s32 $0xFFFFF000  }
0xc0: {  	_ =	swait.ge [sflag:s24], $0x1000  }
0xc1: {  	[sflag:s24] =	ssyncset.done $0x0  }
0xc2: {  	[sflag:s24] =	ssyncadd.s32 $0xFFFFF000  }
0xc3: {  	_ =	swait.ge [sflag:s24], $0x1000  }
0xc4: {  	[sflag:s24] =	ssyncset.done $0x0;
	s25 =	rddreg [dreg:$0xf]  }
0xc5: {  	[sflag:s24] =	ssyncadd.s32 $0xFFFFF000;
	s25 =	sadd.s32 s7, s25  }
0xc6: {  	[tilespmem:s29], [sflag:$0x7] =	stream.linear.gather [hbm4b:s25+s6], $0x80, $0x38;
	[tilespmem:$0x1FC00] =	vst v63  }
0xc7: {  	_ =	swait.ge [sflag:s18], $0x80  }
0xc8: {  	[sflag:s18] =	ssyncset.done $0x0  }
0xc9: {  	s25 =	simm.s32 $0x4300;
	[sflag:s18] =	ssyncadd.s32 $0xFFFFFF80  }
0xca: {  	[spmem:s2] =	stream.indirect.scatter.add.f32 [tilespmem:s25], [sflag:$0x5], $0x20, s29, s14, $0xb8;
	[tilespmem:$0x1FC00] =	vst v63  }
0xcb: {  	s25 =	simm.s32 $0x5300  }
0xcc: {  	[spmem:s3] =	stream.indirect.scatter.add.f32 [tilespmem:s25], [sflag:$0x5], $0x20, s29, s14, $0xb8;
	[tilespmem:$0x1FC00] =	vst v63  }
0xcd: {  	s25 =	simm.s32 $0x6300  }
0xce: {  	[spmem:s4] =	stream.indirect.scatter.add.f32 [tilespmem:s25], [sflag:$0x5], $0x20, s29, s14, $0xb8;
	[tilespmem:$0x1FC00] =	vst v63  }
0xcf: {  	s25 =	simm.s32 $0x7300  }
0xd0: {  	[spmem:s5] =	stream.indirect.scatter.add.f32 [tilespmem:s25], [sflag:$0x5], $0x20, s29, s14, $0xb8;
	[tilespmem:$0x1FC00] =	vst v63  }
0xd1: {  	s25 =	simm.s32 @!p3 $0x5  }
0xd2: {  	_ =	swait.ge @!p3 [sflag:s25], $0x1000  }
0xd3: {  	[sflag:s25] =	ssyncset.done @!p3 $0x0  }
0xd4: {  	[sflag:s25] =	ssyncadd.s32 @!p3 $0xFFFFF000  }
0xd5: {  	_ =	swait.ge @!p3 [sflag:s25], $0x1000  }
0xd6: {  	[sflag:s25] =	ssyncset.done @!p3 $0x0  }
0xd7: {  	[sflag:s25] =	ssyncadd.s32 @!p3 $0xFFFFF000  }
0xd8: {  	_ =	swait.ge @!p3 [sflag:s25], $0x1000  }
0xd9: {  	[sflag:s25] =	ssyncset.done @!p3 $0x0  }
0xda: {  	[sflag:s25] =	ssyncadd.s32 @!p3 $0xFFFFF000  }
0xdb: {  	_ =	swait.ge @!p3 [sflag:s25], $0x1000  }
0xdc: {  	[sflag:s25] =	ssyncset.done @!p3 $0x0  }
0xdd: {  	[sflag:s25] =	ssyncadd.s32 @!p3 $0xFFFFF000;
	s25 =	sld [smem:$0x7F6];
	_ =	sdelay $0x2  }
0xde: {  	s25 =	sadd.s32 @!p3 s7, s25  }
0xdf: {  	[tilespmem:s20], [sflag:$0x7] =	stream.linear.gather @!p3 [hbm4b:s25+s19], $0x80, $0x38;
	[tilespmem:$0x1FC00] =	vst v63  }
0xe0: {  	_ =	swait.ge @!p3 [sflag:s11], $0x80  }
0xe1: {  	[sflag:s11] =	ssyncset.done @!p3 $0x0  }
0xe2: {  	[sflag:s11] =	ssyncadd.s32 @!p3 $0xFFFFFF80;
	s11 =	simm.s32 @!p3 $0x4300  }
0xe3: {  	[tilespmem:s11], [sflag:$0x2] =	stream.indirect.gather @!p3 [hbm4b:s1+s20], $0x20, s20, s20, $0xb8;
	[tilespmem:$0x1FC00] =	vst v63  }
0xe4: {  	s11 =	simm.s32 @!p3 $0x5300  }
0xe5: {  	[tilespmem:s11], [sflag:$0x2] =	stream.indirect.gather @!p3 [hbm4b:s8+s20], $0x20, s20, s20, $0xb8;
	[tilespmem:$0x1FC00] =	vst v63  }
0xe6: {  	s11 =	simm.s32 @!p3 $0x6300  }
0xe7: {  	[tilespmem:s11], [sflag:$0x2] =	stream.indirect.gather @!p3 [hbm4b:s9+s20], $0x20, s20, s20, $0xb8;
	[tilespmem:$0x1FC00] =	vst v63  }
0xe8: {  	s11 =	simm.s32 @!p3 $0x7300  }
0xe9: {  	[tilespmem:s11], [sflag:$0x2] =	stream.indirect.gather @!p3 [hbm4b:s10+s20], $0x20, s20, s20, $0xb8;
	[tilespmem:$0x1FC00] =	vst v63  }
0xea: {  	_ =	swait.ge [sflag:s30], $0x1000  }
0xeb: {  	[sflag:s30] =	ssyncset.done $0x0  }
0xec: {  	[sflag:s30] =	ssyncadd.s32 $0xFFFFF000  }
0xed: {  	_ =	swait.ge [sflag:s30], $0x1000  }
0xee: {  	[sflag:s30] =	ssyncset.done $0x0  }
0xef: {  	[sflag:s30] =	ssyncadd.s32 $0xFFFFF000  }
0xf0: {  	_ =	swait.ge [sflag:s30], $0x1000  }
0xf1: {  	[sflag:s30] =	ssyncset.done $0x0  }
0xf2: {  	[sflag:s30] =	ssyncadd.s32 $0xFFFFF000  }
0xf3: {  	_ =	swait.ge [sflag:s30], $0x1000  }
0xf4: {  	[sflag:s30] =	ssyncset.done $0x0;
	s25 =	rddreg [dreg:$0xe]  }
0xf5: {  	[sflag:s30] =	ssyncadd.s32 $0xFFFFF000;
	s11 =	sadd.s32 s7, s25  }
0xf6: {  	[tilespmem:s15], [sflag:$0x7] =	stream.linear.gather [hbm4b:s11+s6], $0x80, $0x38;
	[tilespmem:$0x1FC00] =	vst v63  }
0xf7: {  	_ =	swait.ge [sflag:s18], $0x80  }
0xf8: {  	[sflag:s18] =	ssyncset.done $0x0  }
0xf9: {  	[sflag:s18] =	ssyncadd.s32 $0xFFFFFF80  }
0xfa: {  	[spmem:s2] =	stream.indirect.scatter.add.f32 [tilespmem:s22], [sflag:$0x6], $0x20, s15, s14, $0xb8;
	[tilespmem:$0x1FC00] =	vst v63  }
0xfb: {  	_ = 	snop  }
0xfc: {  	[spmem:s3] =	stream.indirect.scatter.add.f32 [tilespmem:s23], [sflag:$0x6], $0x20, s15, s14, $0xb8;
	[tilespmem:$0x1FC00] =	vst v63  }
.Ltmp2:
0xfd: {  	_ = 	snop;
	(pc) =	sbr.rel @p3 .LBB2_4-.Ltmp2, $4  }
0xfe: {  	s25 =	simm.s32 $0x8300  }
0xff: {  	[spmem:s4] =	stream.indirect.scatter.add.f32 [tilespmem:s26], [sflag:$0x6], $0x20, s15, s14, $0xb8;
	[tilespmem:$0x1FC00] =	vst v63  }
0x100: {  	s22 =	simm.s32 $0x9300;
	s23 =	simm.s32 $0xA300;
	s26 =	simm.s32 $0xB300  }
0x101: {  	[spmem:s5] =	stream.indirect.scatter.add.f32 [tilespmem:s21], [sflag:$0x6], $0x20, s15, s14, $0xb8;
	[tilespmem:$0x1FC00] =	vst v63  }
0x102: {  	_ =	swait.ge [sflag:s16], $0x1000  }
0x103: {  	[sflag:s16] =	ssyncset.done $0x0  }
0x104: {  	[sflag:s16] =	ssyncadd.s32 $0xFFFFF000  }
0x105: {  	_ =	swait.ge [sflag:s16], $0x1000  }
0x106: {  	[sflag:s16] =	ssyncset.done $0x0  }
0x107: {  	[sflag:s16] =	ssyncadd.s32 $0xFFFFF000  }
0x108: {  	_ =	swait.ge [sflag:s16], $0x1000  }
0x109: {  	[sflag:s16] =	ssyncset.done $0x0  }
0x10a: {  	[sflag:s16] =	ssyncadd.s32 $0xFFFFF000  }
0x10b: {  	_ =	swait.ge [sflag:s16], $0x1000  }
0x10c: {  	[sflag:s16] =	ssyncset.done $0x0;
	s11 =	rddreg [dreg:$0x14]  }
0x10d: {  	[sflag:s16] =	ssyncadd.s32 $0xFFFFF000;
	s11 =	sadd.s32 s7, s11  }
0x10e: {  	[tilespmem:s31], [sflag:$0x7] =	stream.linear.gather [hbm4b:s11+s6], $0x80, $0x38;
	[tilespmem:$0x1FC00] =	vst v63  }
0x10f: {  	_ =	swait.ge [sflag:s18], $0x80  }
0x110: {  	[sflag:s18] =	ssyncset.done $0x0  }
0x111: {  	[sflag:s18] =	ssyncadd.s32 $0xFFFFFF80  }
0x112: {  	[tilespmem:s25], [sflag:$0x3] =	stream.indirect.gather [hbm4b:s1+s14], $0x20, s31, s14, $0xb8;
	[tilespmem:$0x1FC00] =	vst v63  }
0x113: {  	_ = 	snop  }
0x114: {  	[tilespmem:s22], [sflag:$0x3] =	stream.indirect.gather [hbm4b:s8+s14], $0x20, s31, s14, $0xb8;
	[tilespmem:$0x1FC00] =	vst v63  }
.Ltmp3:
0x115: {  	_ = 	snop;
	(pc) =	sbr.rel .LBB2_2-.Ltmp3, $4  }
0x116: {  	[tilespmem:s23], [sflag:$0x3] =	stream.indirect.gather [hbm4b:s9+s14], $0x20, s31, s14, $0xb8;
	[tilespmem:$0x1FC00] =	vst v63  }
0x117: {  	s17 =	sadd.s32 $0x180, s17;
	s21 =	simm.s32 $0xB300;
	s7 =	sadd.s32 $0x30, s7  }
0x118: {  	[tilespmem:s26], [sflag:$0x3] =	stream.indirect.gather [hbm4b:s10+s14], $0x20, s31, s14, $0xb8;
	[tilespmem:$0x1FC00] =	vst v63  }
0x119: {  	s22 =	simm.s32 $0x8300;
	s23 =	simm.s32 $0x9300;
	s26 =	simm.s32 $0xA300  }
.LBB2_4:
0x11a: {  	s21 =	simm.s32 $0x4  }
0x11b: {  	_ =	swait.ge [sflag:s21], $0x1000  }
0x11c: {  	[sflag:s21] =	ssyncset.done $0x0  }
0x11d: {  	[sflag:s21] =	ssyncadd.s32 $0xFFFFF000  }
0x11e: {  	_ =	swait.ge [sflag:s21], $0x1000  }
0x11f: {  	[sflag:s21] =	ssyncset.done $0x0  }
0x120: {  	[sflag:s21] =	ssyncadd.s32 $0xFFFFF000  }
0x121: {  	_ =	swait.ge [sflag:s21], $0x1000  }
0x122: {  	[sflag:s21] =	ssyncset.done $0x0  }
0x123: {  	[sflag:s21] =	ssyncadd.s32 $0xFFFFF000  }
0x124: {  	_ =	swait.ge [sflag:s21], $0x1000  }
0x125: {  	[sflag:s21] =	ssyncset.done $0x0  }
0x126: {  	s7 =	simm.s32 $0x5;
	[sflag:s21] =	ssyncadd.s32 $0xFFFFF000  }
0x127: {  	_ =	swait.ge [sflag:s7], $0x1000  }
0x128: {  	[sflag:s7] =	ssyncset.done $0x0  }
0x129: {  	[sflag:s7] =	ssyncadd.s32 $0xFFFFF000  }
0x12a: {  	_ =	swait.ge [sflag:s7], $0x1000  }
0x12b: {  	[sflag:s7] =	ssyncset.done $0x0  }
0x12c: {  	[sflag:s7] =	ssyncadd.s32 $0xFFFFF000  }
0x12d: {  	_ =	swait.ge [sflag:s7], $0x1000  }
0x12e: {  	[sflag:s7] =	ssyncset.done $0x0  }
0x12f: {  	[sflag:s7] =	ssyncadd.s32 $0xFFFFF000  }
0x130: {  	_ =	swait.ge [sflag:s7], $0x1000  }
0x131: {  	[sflag:s7] =	ssyncset.done $0x0  }
0x132: {  	[sflag:s7] =	ssyncadd.s32 $0xFFFFF000  }
0x133: {  	_ =	swait.ge [sflag:s16], $0x1000  }
0x134: {  	[sflag:s16] =	ssyncset.done $0x0  }
0x135: {  	[sflag:s16] =	ssyncadd.s32 $0xFFFFF000  }
0x136: {  	_ =	swait.ge [sflag:s16], $0x1000  }
0x137: {  	[sflag:s16] =	ssyncset.done $0x0  }
0x138: {  	[sflag:s16] =	ssyncadd.s32 $0xFFFFF000  }
0x139: {  	_ =	swait.ge [sflag:s16], $0x1000  }
.Ltmp4:
0x13a: {  	[sflag:s16] =	ssyncset.done $0x0;
	(pc) =	sbr.rel @p1 .LBB2_6-.Ltmp4, $4  }
0x13b: {  	[sflag:s16] =	ssyncadd.s32 $0xFFFFF000  }
0x13c: {  	_ =	swait.ge [sflag:s16], $0x1000  }
0x13d: {  	[sflag:s16] =	ssyncset.done $0x0  }
0x13e: {  	[sflag:s16] =	ssyncadd.s32 $0xFFFFF000  }
0x13f: {  	s7 =	rddreg [dreg:$0x12]  }
0x140: {  	[tilespmem:s6], [sflag:$0x7] =	stream.linear.gather [hbm4b:s7+s6], $0x80, $0x38;
	[tilespmem:$0x1FC00] =	vst v63  }
0x141: {  	_ =	swait.ge [sflag:s18], $0x80  }
0x142: {  	[sflag:s18] =	ssyncset.done $0x0  }
0x143: {  	s11 =	simm.s32 $0x300;
	[sflag:s18] =	ssyncadd.s32 $0xFFFFFF80  }
0x144: {  	[tilespmem:s11], [sflag:$0x1] =	stream.indirect.gather [hbm4b:s1+s14], $0x20, s6, s14, $0xb8;
	[tilespmem:$0x1FC00] =	vst v63  }
0x145: {  	s17 =	simm.s32 $0x1300  }
0x146: {  	[tilespmem:s17], [sflag:$0x1] =	stream.indirect.gather [hbm4b:s8+s14], $0x20, s6, s14, $0xb8;
	[tilespmem:$0x1FC00] =	vst v63  }
0x147: {  	s19 =	simm.s32 $0x2300  }
0x148: {  	[tilespmem:s19], [sflag:$0x1] =	stream.indirect.gather [hbm4b:s9+s14], $0x20, s6, s14, $0xb8;
	[tilespmem:$0x1FC00] =	vst v63  }
0x149: {  	s20 =	simm.s32 $0x3300  }
0x14a: {  	[tilespmem:s20], [sflag:$0x1] =	stream.indirect.gather [hbm4b:s10+s14], $0x20, s6, s14, $0xb8;
	[tilespmem:$0x1FC00] =	vst v63  }
0x14b: {  	_ =	swait.ge [sflag:s12], $0x1000  }
0x14c: {  	[sflag:s12] =	ssyncset.done $0x0  }
0x14d: {  	[sflag:s12] =	ssyncadd.s32 $0xFFFFF000  }
0x14e: {  	_ =	swait.ge [sflag:s12], $0x1000  }
0x14f: {  	[sflag:s12] =	ssyncset.done $0x0  }
0x150: {  	[sflag:s12] =	ssyncadd.s32 $0xFFFFF000  }
0x151: {  	_ =	swait.ge [sflag:s12], $0x1000  }
0x152: {  	[sflag:s12] =	ssyncset.done $0x0  }
0x153: {  	[sflag:s12] =	ssyncadd.s32 $0xFFFFF000  }
0x154: {  	_ =	swait.ge [sflag:s12], $0x1000  }
0x155: {  	[sflag:s12] =	ssyncset.done $0x0  }
0x156: {  	s0 =	rddreg [dreg:$0x11];
	[sflag:s12] =	ssyncadd.s32 $0xFFFFF000  }
0x157: {  	[tilespmem:s13], [sflag:$0x7] =	stream.linear.gather [hbm4b:s0+s6], $0x80, $0x38;
	[tilespmem:$0x1FC00] =	vst v63  }
0x158: {  	_ =	swait.ge [sflag:s18], $0x80  }
0x159: {  	[sflag:s18] =	ssyncset.done $0x0  }
0x15a: {  	[sflag:s18] =	ssyncadd.s32 $0xFFFFFF80  }
0x15b: {  	[spmem:s2] =	stream.indirect.scatter.add.f32 [tilespmem:s11], [sflag:$0x4], $0x20, s13, s14, $0xb8;
	[tilespmem:$0x1FC00] =	vst v63  }
0x15c: {  	_ = 	snop  }
0x15d: {  	[spmem:s3] =	stream.indirect.scatter.add.f32 [tilespmem:s17], [sflag:$0x4], $0x20, s13, s14, $0xb8;
	[tilespmem:$0x1FC00] =	vst v63  }
0x15e: {  	_ = 	snop  }
0x15f: {  	[spmem:s4] =	stream.indirect.scatter.add.f32 [tilespmem:s19], [sflag:$0x4], $0x20, s13, s14, $0xb8;
	[tilespmem:$0x1FC00] =	vst v63  }
0x160: {  	_ = 	snop  }
0x161: {  	[spmem:s5] =	stream.indirect.scatter.add.f32 [tilespmem:s20], [sflag:$0x4], $0x20, s13, s14, $0xb8;
	[tilespmem:$0x1FC00] =	vst v63  }
0x162: {  	_ =	swait.ge [sflag:s21], $0x1000  }
0x163: {  	[sflag:s21] =	ssyncset.done $0x0  }
0x164: {  	[sflag:s21] =	ssyncadd.s32 $0xFFFFF000  }
0x165: {  	_ =	swait.ge [sflag:s21], $0x1000  }
0x166: {  	[sflag:s21] =	ssyncset.done $0x0  }
0x167: {  	[sflag:s21] =	ssyncadd.s32 $0xFFFFF000  }
0x168: {  	_ =	swait.ge [sflag:s21], $0x1000  }
0x169: {  	[sflag:s21] =	ssyncset.done $0x0  }
0x16a: {  	[sflag:s21] =	ssyncadd.s32 $0xFFFFF000  }
.Ltmp5:
0x16b: {  	_ =	swait.ge [sflag:s21], $0x1000;
	(pc) =	sbr.rel .LBB2_7-.Ltmp5, $4  }
0x16c: {  	[sflag:s21] =	ssyncset.done $0x0  }
0x16d: {  	[sflag:s21] =	ssyncadd.s32 $0xFFFFF000  }
0x16e: {  	[bflag:$0x0] =	sbarrier.arrive $0xFFFF  }
0x16f: {  	s28 =	simm.s32 $0x2300;
	s0 =	simm.s32 $0x3300  }
.LBB2_6:
.Ltmp6:
0x170: {  	(pc) =	sbr.rel @p2 .LBB2_8-.Ltmp6, $2  }
0x171: {  	_ =	sdelay $0x1  }
0x172: {  	[bflag:$0x0] =	sbarrier.arrive $0xFFFF;
	_ =	sdelay $0x1  }
.LBB2_7:
0x173: {  	s7 =	stileid.u32  }
0x174: {  	s11 =	rddreg [dreg:$0x9];
	s7 =	sshll.u32 s7, $0x6  }
0x175: {  	s17 =	rddreg [dreg:$0x1a];
	s19 =	simm.s32 $0x10;
	s7 =	sor.u32 $0x1C07, s7  }
0x176: {  	[hbm:s11@s19], [sflag:s7] =	dma.strided [spmem:s17@s21], $0x9E0, s12, $0x4   }
0x177: {  	_ =	swait.ge [sflag:s18], $0x9E0  }
0x178: {  	s20 =	sld [smem:$0x7FB]  }
0x179: {  	[sflag:s18] =	ssyncset.done $0x0  }
0x17a: {  	s17 =	rddreg [dreg:$0x1b];
	[sflag:s18] =	ssyncadd.s32 $0xFFFFF620  }
0x17b: {  	[hbm:s20@s19], [sflag:s7] =	dma.strided [spmem:s17@s21], $0x9E0, s12, $0x4   }
0x17c: {  	_ =	swait.ge [sflag:s18], $0x9E0  }
0x17d: {  	s20 =	sld [smem:$0x7FC]  }
0x17e: {  	[sflag:s18] =	ssyncset.done $0x0  }
0x17f: {  	s17 =	rddreg [dreg:$0x1c];
	[sflag:s18] =	ssyncadd.s32 $0xFFFFF620  }
0x180: {  	[hbm:s20@s19], [sflag:s7] =	dma.strided [spmem:s17@s21], $0x9E0, s12, $0x4   }
0x181: {  	_ =	swait.ge [sflag:s18], $0x9E0  }
0x182: {  	s20 =	sld [smem:$0x7FD]  }
0x183: {  	[sflag:s18] =	ssyncset.done $0x0  }
.Ltmp7:
0x184: {  	s17 =	rddreg [dreg:$0x1d];
	[sflag:s18] =	ssyncadd.s32 $0xFFFFF620;
	(pc) =	sbr.rel .LBB2_9-.Ltmp7, $4  }
0x185: {  	[hbm:s20@s19], [sflag:s7] =	dma.strided [spmem:s17@s21], $0x9E0, s12, $0x4   }
0x186: {  	_ =	swait.ge [sflag:s18], $0x9E0  }
0x187: {  	[sflag:s18] =	ssyncset.done $0x0  }
0x188: {  	s11 =	sld [smem:$0x7F4];
	[sflag:s18] =	ssyncadd.s32 $0xFFFFF620  }
.LBB2_10:
0x189: {  	_ =	sfence.sel $0x180000  }
0x18a: {  	[bflag:$0x0] =	sbarrier.arrive $0xFFFF  }
0x18b: {  	_ =	strace $0x90000047  }
0x18c: {  	s0 =	stileid.u32;
	[bflag:$0x2] =	sbarrier.arrive $0xFFFF  }
0x18d: {  	p0 =	sne.s32 s0, $0x0;
	s0 =	rddreg [dreg:$0x6]  }
0x18e: {  	s0 =	sadd.s32 @!p0 $0x100000, s0  }
0x18f: {  	[sflag:s0] =	ssyncadd.tile.s32 @!p0 $0x1;
	_ =	shalt  }
.Lfunc_end2:
_tile_overlayer_lowered:
.L_overlay_start_2:
0x190: {  	(tag) =	ssettag $0x2  }
0x191: {  	s0 =	rddreg [dreg:$0x0];
	s2 =	stileid.u32  }
0x192: {  	s1 =	rddreg [dreg:$0x1];
	p0 =	sne.s32 s2, $0x0  }
0x193: {  	s3 =	rddreg [dreg:$0x2];
	[bflag:$0x3] =	sbarrier.arrive $0xFFFF;
	s2 =	simm.s32 @!p0 $0x1C07  }
0x194: {  	[timem:s3], [sflag:s2] =	dma.local @!p0 [hbm:s0], s1  }
0x195: {  	s0 =	simm.s32 @!p0 $0x7  }
0x196: {  	_ =	swait.ge @!p0 [sflag:s0], s1  }
0x197: {  	s1 =	ssub.s32 @!p0 $0x0, s1;
	[sflag:s0] =	ssyncset.done @!p0 $0x0  }
0x198: {  	[sflag:s0] =	ssyncadd.s32 @!p0 s1  }
0x199: {  	[bflag:$0x3] =	sbarrier.arrive $0xFFFF  }
0x19a: {  	_ =	shalt  }

</sc_bundles>
